<compile_context>
chip_gen: v7x
topology: tpu7x:2x2x1
jax: 0.10.2.dev20260603
libtpu: 0.0.44.dev20260713+nightly
codegen_flags: <defaults>
</compile_context>

<pallas_src>
import functools

import jax
import jax.numpy as jnp
from jax import lax
from jax.experimental import pallas as pl
from jax.experimental.pallas import tpu as pltpu
from jax.experimental.pallas import tpu_sc as plsc

L = 2048
N_BASES = 4
BR = 128

_NW = 32
_CH = 16
_RPW = L // _NW


def _tc_body(seq_col_ref, seq_row_ref, bt_ref, seq_out_ref):
    bt = bt_ref[:, :]
    sc = seq_col_ref[:, :]
    sr = seq_row_ref[:, :]

    for c in range(N_BASES):
        colv = jnp.zeros((BR, 1), jnp.float32)
        rowv = jnp.zeros((1, L), jnp.float32)
        for b in range(N_BASES):
            colv = colv + jnp.where(sc == b, bt[b, c], 0.0)
            rowv = rowv + jnp.where(sr == b, bt[b, c], 0.0)
        seq_out_ref[0, c, :, :] = jnp.broadcast_to(colv, (BR, L))
        seq_out_ref[0, N_BASES + c, :, :] = jnp.broadcast_to(rowv, (BR, L))


@functools.partial(
    pl.kernel,
    mesh=plsc.VectorSubcoreMesh(core_axis_name="c", subcore_axis_name="s"),
    out_type=jax.ShapeDtypeStruct((L, L), jnp.float32),
    scratch_types=[
        pltpu.VMEM((_RPW,), jnp.int32),
        pltpu.VMEM((_CH, L), jnp.float32),
        pltpu.VMEM((_CH, L), jnp.float32),
        pltpu.SemaphoreType.DMA,
        pltpu.SemaphoreType.DMA,
    ],
    compiler_params=pltpu.CompilerParams(needs_layout_passes=False),
)
def _sc_idx(pairs_hbm, out_hbm, pvec_v, tile_a, tile_b, sem_a, sem_b):
    wid = lax.axis_index("s") * 2 + lax.axis_index("c")
    base = wid * _RPW

    zvec = jnp.zeros((_CH,), jnp.float32)
    ones = jnp.full((_CH,), 1.0, jnp.float32)
    lane = lax.iota(jnp.int32, _CH)

    pltpu.sync_copy(pairs_hbm.at[pl.ds(base, _RPW)], pvec_v)

    def _zero(j, carry):
        for r in range(_CH):
            tile_a[r, pl.ds(j * _CH, _CH)] = zvec
            tile_b[r, pl.ds(j * _CH, _CH)] = zvec
        return carry

    lax.fori_loop(0, L // _CH, _zero, 0)

    tiles = (tile_a, tile_b)
    sems = (sem_a, sem_b)
    copies = [None, None]
    prev_idx = [None, None]
    for k in range(_RPW // _CH):
        b = k % 2
        tile, sem = tiles[b], sems[b]
        if copies[b] is not None:
            copies[b].wait()
            plsc.store_scatter(tile, prev_idx[b], zvec)
        pvec = pvec_v[pl.ds(k * _CH, _CH)]
        plsc.store_scatter(tile, [lane, pvec], ones)
        copies[b] = pltpu.async_copy(
            tile, out_hbm.at[pl.ds(base + k * _CH, _CH)], sem
        )
        prev_idx[b] = [lane, pvec]
    for b in range(2):
        if copies[b] is not None:
            copies[b].wait()


@jax.jit
def kernel(seq, pairs, base_table):
    seq_col = seq.reshape(L, 1)
    seq_row = seq.reshape(1, L)

    idx_flat = _sc_idx(pairs)

    seq_ret = pl.pallas_call(
        _tc_body,
        grid=(L // BR,),
        in_specs=[
            pl.BlockSpec((BR, 1), lambda r: (r, 0)),
            pl.BlockSpec((1, L), lambda r: (0, 0)),
            pl.BlockSpec((N_BASES, N_BASES), lambda r: (0, 0)),
        ],
        out_specs=pl.BlockSpec((1, 2 * N_BASES, BR, L), lambda r: (0, 0, r, 0)),
        out_shape=jax.ShapeDtypeStruct((1, 2 * N_BASES, L, L), jnp.float32),
    )(seq_col, seq_row, base_table)

    return seq_ret, idx_flat.reshape(1, 1, L, L)

# --- scband reference (transcript-rebuilt; emitter-appended) ---
"""Pipeline reference for scband-bpseq-embedding-16647293239444 (READ-ONLY COPY).

The authoritative reference and input builder live on the scoring server;
editing this copy changes nothing except your own understanding.
"""

import jax, jax.numpy as jnp
import numpy as np

L = 2048
N_BASES = 4


def setup_inputs(seed: int = 0) -> dict:
    key = jax.random.key(seed)
    k1, k2 = jax.random.split(key)
    # base indices in [0, N_BASES): equivalent to the sequence string 'acgu' chars
    seq = jax.random.randint(k1, (L,), 0, N_BASES, dtype=jnp.int32)
    # pairing partner index for each position (bpseq j column, 0-indexed)
    pairs = jax.random.randint(k2, (L,), 0, L, dtype=jnp.int32)
    # BASE_DICT one-hot table: identity over the 4 bases
    base_table = jnp.eye(N_BASES, dtype=jnp.float32)
    return {"seq": seq, "pairs": pairs, "base_table": base_table}


def reference(seq, pairs, base_table):
    # SequenceEmbedding: one_hot = stack([BASE_DICT[char] for char in sequence])
    one_hot = jnp.take(base_table, seq, axis=0)  # [L, N_BASES]
    Lq = one_hot.shape[0]
    # ret[:, i, j] = concat(one_hot[i], one_hot[j])
    a = jnp.broadcast_to(jnp.transpose(one_hot)[:, :, None], (N_BASES, Lq, Lq))
    b = jnp.broadcast_to(jnp.transpose(one_hot)[:, None, :], (N_BASES, Lq, Lq))
    seq_ret = jnp.concatenate([a, b], axis=0)[None, :, :, :]  # [1, 2*N_BASES, L, L]
    # BpseqEmbedding: idx_ret[i-1, j-1] = 1.0 (pairing contact map)
    idx_ret = jnp.zeros((Lq, Lq), dtype=base_table.dtype)
    idx_ret = idx_ret.at[jnp.arange(Lq), pairs].set(1.0)
    idx_ret = idx_ret[None, None, :, :]  # [1, 1, L, L]
    return (seq_ret, idx_ret)

if __name__ == "__main__":
    import jax
    _d = setup_inputs()
    print(jax.jit(kernel)(*tuple(_d.values())))

</pallas_src>

<mosaic_0001>
#map = affine_map<(d0, d1) -> (0)>
#map1 = affine_map<(d0, d1) -> (0, 0)>
module attributes {stable_mosaic.version = 14 : i64} {
  func.func @_sc_idx(%arg0: i32, %arg1: i32, %arg2: memref<2048xi32, #tpu.memory_space<hbm>>, %arg3: memref<2048x2048xf32, #tpu.memory_space<hbm>>, %arg4: memref<64xi32, #tpu.memory_space<vmem>>, %arg5: memref<16x2048xf32, #tpu.memory_space<vmem>>, %arg6: memref<16x2048xf32, #tpu.memory_space<vmem>>, %arg7: memref<!tpu.dma_semaphore, #tpu.memory_space<semaphore_mem>>, %arg8: memref<!tpu.dma_semaphore, #tpu.memory_space<semaphore_mem>>) attributes {dimension_semantics = [#tpu.dimension_semantics<core_parallel>, #tpu.dimension_semantics<subcore_parallel>], iteration_bounds = array<i64: 2, 16>, scalar_prefetch = 0 : i64, scratch_operands = 5 : i64, tpu.core_type = #tpu.core_type<sc_vector_subcore>, window_params = [{transform_indices = #map}, {transform_indices = #map1}]} {
    %mul3A = arith.constant 2 : i32
    %mul3A_0 = arith.muli %arg1, %mul3A : i32
    %add3A = arith.addi %mul3A_0, %arg0 : i32
    %mul3A_1 = arith.constant 64 : i32
    %mul3A_2 = arith.muli %add3A, %mul3A_1 : i32
    %broadcast_in_dim3A = arith.constant 0.000000e+00 : f32
    %broadcast_in_dim3A_3 = vector.broadcast %broadcast_in_dim3A : f32 to vector<16xf32>
    %broadcast_in_dim3A_4 = arith.constant 1.000000e+00 : f32
    %broadcast_in_dim3A_5 = vector.broadcast %broadcast_in_dim3A_4 : f32 to vector<16xf32>
    %iota3A = tpu.iota {dimensions = array<i32: 0>} : vector<16xi32>
    "tpu.region"() ({
      %run_scoped3A = tpu.sem_alloc : memref<!tpu.dma_semaphore, #tpu.memory_space<semaphore_mem>>
      %dma_start3A_56 = tpu.memref_slice %arg2[%mul3A_2] : memref<2048xi32, #tpu.memory_space<hbm>> -> memref<64xi32, #tpu.memory_space<hbm>>
      %dma_start3A_57 = tpu.memref_slice %arg2[%mul3A_2] : memref<2048xi32, #tpu.memory_space<hbm>> -> memref<64xi32, #tpu.memory_space<hbm>>
      tpu.enqueue_dma source(%dma_start3A_57 : memref<64xi32, #tpu.memory_space<hbm>>) target(%arg4 : memref<64xi32, #tpu.memory_space<vmem>>) target_semaphore(%run_scoped3A : memref<!tpu.dma_semaphore, #tpu.memory_space<semaphore_mem>>)
      %dma_wait3A_58 = tpu.memref_slice %arg2[%mul3A_2] : memref<2048xi32, #tpu.memory_space<hbm>> -> memref<64xi32, #tpu.memory_space<hbm>>
      %dma_wait3A_59 = tpu.memref_slice %arg2[%mul3A_2] : memref<2048xi32, #tpu.memory_space<hbm>> -> memref<64xi32, #tpu.memory_space<hbm>>
      tpu.wait_dma2 semaphore(%run_scoped3A : memref<!tpu.dma_semaphore, #tpu.memory_space<semaphore_mem>>) src(%dma_wait3A_59 : memref<64xi32, #tpu.memory_space<hbm>>) dst(%arg4 : memref<64xi32, #tpu.memory_space<vmem>>)
      tpu.yield
    }) : () -> ()
    %scan3A = arith.constant 0 : i32
    %scan3A_6 = arith.constant 0 : i32
    %scan3A_7 = arith.constant 128 : i32
    %scan3A_8 = arith.addi %scan3A_6, %scan3A_7 : i32
    %scan3A_9 = arith.constant 1 : i32
    scf.for %scan3A_56 = %scan3A_6 to %scan3A_8 step %scan3A_9  : i32 {
      %mul3A_57 = arith.constant 16 : i32
      %mul3A_58 = arith.muli %scan3A_56, %mul3A_57 : i32
      %swap3A = arith.constant 0 : i32
      %swap3A_59 = arith.index_cast %swap3A : i32 to index
      %swap3A_60 = arith.index_cast %mul3A_58 : i32 to index
      %swap3A_61 = tpu.vector_load %arg5[%swap3A_59, %swap3A_60] {strides = array<i32>} : memref<16x2048xf32, #tpu.memory_space<vmem>>, vector<16xf32>,
      tpu.vector_store %arg5[%swap3A_59, %swap3A_60], %broadcast_in_dim3A_3 {strides = array<i32>} : memref<16x2048xf32, #tpu.memory_space<vmem>>, vector<16xf32>,
      %mul3A_62 = arith.constant 16 : i32
      %mul3A_63 = arith.muli %scan3A_56, %mul3A_62 : i32
      %swap3A_64 = arith.constant 0 : i32
      %swap3A_65 = arith.index_cast %swap3A_64 : i32 to index
      %swap3A_66 = arith.index_cast %mul3A_63 : i32 to index
      %swap3A_67 = tpu.vector_load %arg6[%swap3A_65, %swap3A_66] {strides = array<i32>} : memref<16x2048xf32, #tpu.memory_space<vmem>>, vector<16xf32>,
      tpu.vector_store %arg6[%swap3A_65, %swap3A_66], %broadcast_in_dim3A_3 {strides = array<i32>} : memref<16x2048xf32, #tpu.memory_space<vmem>>, vector<16xf32>,
      %mul3A_68 = arith.constant 16 : i32
      %mul3A_69 = arith.muli %scan3A_56, %mul3A_68 : i32
      %swap3A_70 = arith.constant 1 : i32
      %swap3A_71 = arith.index_cast %swap3A_70 : i32 to index
      %swap3A_72 = arith.index_cast %mul3A_69 : i32 to index
      %swap3A_73 = tpu.vector_load %arg5[%swap3A_71, %swap3A_72] {strides = array<i32>} : memref<16x2048xf32, #tpu.memory_space<vmem>>, vector<16xf32>,
      tpu.vector_store %arg5[%swap3A_71, %swap3A_72], %broadcast_in_dim3A_3 {strides = array<i32>} : memref<16x2048xf32, #tpu.memory_space<vmem>>, vector<16xf32>,
      %mul3A_74 = arith.constant 16 : i32
      %mul3A_75 = arith.muli %scan3A_56, %mul3A_74 : i32
      %swap3A_76 = arith.constant 1 : i32
      %swap3A_77 = arith.index_cast %swap3A_76 : i32 to index
      %swap3A_78 = arith.index_cast %mul3A_75 : i32 to index
      %swap3A_79 = tpu.vector_load %arg6[%swap3A_77, %swap3A_78] {strides = array<i32>} : memref<16x2048xf32, #tpu.memory_space<vmem>>, vector<16xf32>,
      tpu.vector_store %arg6[%swap3A_77, %swap3A_78], %broadcast_in_dim3A_3 {strides = array<i32>} : memref<16x2048xf32, #tpu.memory_space<vmem>>, vector<16xf32>,
      %mul3A_80 = arith.constant 16 : i32
      %mul3A_81 = arith.muli %scan3A_56, %mul3A_80 : i32
      %swap3A_82 = arith.constant 2 : i32
      %swap3A_83 = arith.index_cast %swap3A_82 : i32 to index
      %swap3A_84 = arith.index_cast %mul3A_81 : i32 to index
      %swap3A_85 = tpu.vector_load %arg5[%swap3A_83, %swap3A_84] {strides = array<i32>} : memref<16x2048xf32, #tpu.memory_space<vmem>>, vector<16xf32>,
      tpu.vector_store %arg5[%swap3A_83, %swap3A_84], %broadcast_in_dim3A_3 {strides = array<i32>} : memref<16x2048xf32, #tpu.memory_space<vmem>>, vector<16xf32>,
      %mul3A_86 = arith.constant 16 : i32
      %mul3A_87 = arith.muli %scan3A_56, %mul3A_86 : i32
      %swap3A_88 = arith.constant 2 : i32
      %swap3A_89 = arith.index_cast %swap3A_88 : i32 to index
      %swap3A_90 = arith.index_cast %mul3A_87 : i32 to index
      %swap3A_91 = tpu.vector_load %arg6[%swap3A_89, %swap3A_90] {strides = array<i32>} : memref<16x2048xf32, #tpu.memory_space<vmem>>, vector<16xf32>,
      tpu.vector_store %arg6[%swap3A_89, %swap3A_90], %broadcast_in_dim3A_3 {strides = array<i32>} : memref<16x2048xf32, #tpu.memory_space<vmem>>, vector<16xf32>,
      %mul3A_92 = arith.constant 16 : i32
      %mul3A_93 = arith.muli %scan3A_56, %mul3A_92 : i32
      %swap3A_94 = arith.constant 3 : i32
      %swap3A_95 = arith.index_cast %swap3A_94 : i32 to index
      %swap3A_96 = arith.index_cast %mul3A_93 : i32 to index
      %swap3A_97 = tpu.vector_load %arg5[%swap3A_95, %swap3A_96] {strides = array<i32>} : memref<16x2048xf32, #tpu.memory_space<vmem>>, vector<16xf32>,
      tpu.vector_store %arg5[%swap3A_95, %swap3A_96], %broadcast_in_dim3A_3 {strides = array<i32>} : memref<16x2048xf32, #tpu.memory_space<vmem>>, vector<16xf32>,
      %mul3A_98 = arith.constant 16 : i32
      %mul3A_99 = arith.muli %scan3A_56, %mul3A_98 : i32
      %swap3A_100 = arith.constant 3 : i32
      %swap3A_101 = arith.index_cast %swap3A_100 : i32 to index
      %swap3A_102 = arith.index_cast %mul3A_99 : i32 to index
      %swap3A_103 = tpu.vector_load %arg6[%swap3A_101, %swap3A_102] {strides = array<i32>} : memref<16x2048xf32, #tpu.memory_space<vmem>>, vector<16xf32>,
      tpu.vector_store %arg6[%swap3A_101, %swap3A_102], %broadcast_in_dim3A_3 {strides = array<i32>} : memref<16x2048xf32, #tpu.memory_space<vmem>>, vector<16xf32>,
      %mul3A_104 = arith.constant 16 : i32
      %mul3A_105 = arith.muli %scan3A_56, %mul3A_104 : i32
      %swap3A_106 = arith.constant 4 : i32
      %swap3A_107 = arith.index_cast %swap3A_106 : i32 to index
      %swap3A_108 = arith.index_cast %mul3A_105 : i32 to index
      %swap3A_109 = tpu.vector_load %arg5[%swap3A_107, %swap3A_108] {strides = array<i32>} : memref<16x2048xf32, #tpu.memory_space<vmem>>, vector<16xf32>,
      tpu.vector_store %arg5[%swap3A_107, %swap3A_108], %broadcast_in_dim3A_3 {strides = array<i32>} : memref<16x2048xf32, #tpu.memory_space<vmem>>, vector<16xf32>,
      %mul3A_110 = arith.constant 16 : i32
      %mul3A_111 = arith.muli %scan3A_56, %mul3A_110 : i32
      %swap3A_112 = arith.constant 4 : i32
      %swap3A_113 = arith.index_cast %swap3A_112 : i32 to index
      %swap3A_114 = arith.index_cast %mul3A_111 : i32 to index
      %swap3A_115 = tpu.vector_load %arg6[%swap3A_113, %swap3A_114] {strides = array<i32>} : memref<16x2048xf32, #tpu.memory_space<vmem>>, vector<16xf32>,
      tpu.vector_store %arg6[%swap3A_113, %swap3A_114], %broadcast_in_dim3A_3 {strides = array<i32>} : memref<16x2048xf32, #tpu.memory_space<vmem>>, vector<16xf32>,
      %mul3A_116 = arith.constant 16 : i32
      %mul3A_117 = arith.muli %scan3A_56, %mul3A_116 : i32
      %swap3A_118 = arith.constant 5 : i32
      %swap3A_119 = arith.index_cast %swap3A_118 : i32 to index
      %swap3A_120 = arith.index_cast %mul3A_117 : i32 to index
      %swap3A_121 = tpu.vector_load %arg5[%swap3A_119, %swap3A_120] {strides = array<i32>} : memref<16x2048xf32, #tpu.memory_space<vmem>>, vector<16xf32>,
      tpu.vector_store %arg5[%swap3A_119, %swap3A_120], %broadcast_in_dim3A_3 {strides = array<i32>} : memref<16x2048xf32, #tpu.memory_space<vmem>>, vector<16xf32>,
      %mul3A_122 = arith.constant 16 : i32
      %mul3A_123 = arith.muli %scan3A_56, %mul3A_122 : i32
      %swap3A_124 = arith.constant 5 : i32
      %swap3A_125 = arith.index_cast %swap3A_124 : i32 to index
      %swap3A_126 = arith.index_cast %mul3A_123 : i32 to index
      %swap3A_127 = tpu.vector_load %arg6[%swap3A_125, %swap3A_126] {strides = array<i32>} : memref<16x2048xf32, #tpu.memory_space<vmem>>, vector<16xf32>,
      tpu.vector_store %arg6[%swap3A_125, %swap3A_126], %broadcast_in_dim3A_3 {strides = array<i32>} : memref<16x2048xf32, #tpu.memory_space<vmem>>, vector<16xf32>,
      %mul3A_128 = arith.constant 16 : i32
      %mul3A_129 = arith.muli %scan3A_56, %mul3A_128 : i32
      %swap3A_130 = arith.constant 6 : i32
      %swap3A_131 = arith.index_cast %swap3A_130 : i32 to index
      %swap3A_132 = arith.index_cast %mul3A_129 : i32 to index
      %swap3A_133 = tpu.vector_load %arg5[%swap3A_131, %swap3A_132] {strides = array<i32>} : memref<16x2048xf32, #tpu.memory_space<vmem>>, vector<16xf32>,
      tpu.vector_store %arg5[%swap3A_131, %swap3A_132], %broadcast_in_dim3A_3 {strides = array<i32>} : memref<16x2048xf32, #tpu.memory_space<vmem>>, vector<16xf32>,
      %mul3A_134 = arith.constant 16 : i32
      %mul3A_135 = arith.muli %scan3A_56, %mul3A_134 : i32
      %swap3A_136 = arith.constant 6 : i32
      %swap3A_137 = arith.index_cast %swap3A_136 : i32 to index
      %swap3A_138 = arith.index_cast %mul3A_135 : i32 to index
      %swap3A_139 = tpu.vector_load %arg6[%swap3A_137, %swap3A_138] {strides = array<i32>} : memref<16x2048xf32, #tpu.memory_space<vmem>>, vector<16xf32>,
      tpu.vector_store %arg6[%swap3A_137, %swap3A_138], %broadcast_in_dim3A_3 {strides = array<i32>} : memref<16x2048xf32, #tpu.memory_space<vmem>>, vector<16xf32>,
      %mul3A_140 = arith.constant 16 : i32
      %mul3A_141 = arith.muli %scan3A_56, %mul3A_140 : i32
      %swap3A_142 = arith.constant 7 : i32
      %swap3A_143 = arith.index_cast %swap3A_142 : i32 to index
      %swap3A_144 = arith.index_cast %mul3A_141 : i32 to index
      %swap3A_145 = tpu.vector_load %arg5[%swap3A_143, %swap3A_144] {strides = array<i32>} : memref<16x2048xf32, #tpu.memory_space<vmem>>, vector<16xf32>,
      tpu.vector_store %arg5[%swap3A_143, %swap3A_144], %broadcast_in_dim3A_3 {strides = array<i32>} : memref<16x2048xf32, #tpu.memory_space<vmem>>, vector<16xf32>,
      %mul3A_146 = arith.constant 16 : i32
      %mul3A_147 = arith.muli %scan3A_56, %mul3A_146 : i32
      %swap3A_148 = arith.constant 7 : i32
      %swap3A_149 = arith.index_cast %swap3A_148 : i32 to index
      %swap3A_150 = arith.index_cast %mul3A_147 : i32 to index
      %swap3A_151 = tpu.vector_load %arg6[%swap3A_149, %swap3A_150] {strides = array<i32>} : memref<16x2048xf32, #tpu.memory_space<vmem>>, vector<16xf32>,
      tpu.vector_store %arg6[%swap3A_149, %swap3A_150], %broadcast_in_dim3A_3 {strides = array<i32>} : memref<16x2048xf32, #tpu.memory_space<vmem>>, vector<16xf32>,
      %mul3A_152 = arith.constant 16 : i32
      %mul3A_153 = arith.muli %scan3A_56, %mul3A_152 : i32
      %swap3A_154 = arith.constant 8 : i32
      %swap3A_155 = arith.index_cast %swap3A_154 : i32 to index
      %swap3A_156 = arith.index_cast %mul3A_153 : i32 to index
      %swap3A_157 = tpu.vector_load %arg5[%swap3A_155, %swap3A_156] {strides = array<i32>} : memref<16x2048xf32, #tpu.memory_space<vmem>>, vector<16xf32>,
      tpu.vector_store %arg5[%swap3A_155, %swap3A_156], %broadcast_in_dim3A_3 {strides = array<i32>} : memref<16x2048xf32, #tpu.memory_space<vmem>>, vector<16xf32>,
      %mul3A_158 = arith.constant 16 : i32
      %mul3A_159 = arith.muli %scan3A_56, %mul3A_158 : i32
      %swap3A_160 = arith.constant 8 : i32
      %swap3A_161 = arith.index_cast %swap3A_160 : i32 to index
      %swap3A_162 = arith.index_cast %mul3A_159 : i32 to index
      %swap3A_163 = tpu.vector_load %arg6[%swap3A_161, %swap3A_162] {strides = array<i32>} : memref<16x2048xf32, #tpu.memory_space<vmem>>, vector<16xf32>,
      tpu.vector_store %arg6[%swap3A_161, %swap3A_162], %broadcast_in_dim3A_3 {strides = array<i32>} : memref<16x2048xf32, #tpu.memory_space<vmem>>, vector<16xf32>,
      %mul3A_164 = arith.constant 16 : i32
      %mul3A_165 = arith.muli %scan3A_56, %mul3A_164 : i32
      %swap3A_166 = arith.constant 9 : i32
      %swap3A_167 = arith.index_cast %swap3A_166 : i32 to index
      %swap3A_168 = arith.index_cast %mul3A_165 : i32 to index
      %swap3A_169 = tpu.vector_load %arg5[%swap3A_167, %swap3A_168] {strides = array<i32>} : memref<16x2048xf32, #tpu.memory_space<vmem>>, vector<16xf32>,
      tpu.vector_store %arg5[%swap3A_167, %swap3A_168], %broadcast_in_dim3A_3 {strides = array<i32>} : memref<16x2048xf32, #tpu.memory_space<vmem>>, vector<16xf32>,
      %mul3A_170 = arith.constant 16 : i32
      %mul3A_171 = arith.muli %scan3A_56, %mul3A_170 : i32
      %swap3A_172 = arith.constant 9 : i32
      %swap3A_173 = arith.index_cast %swap3A_172 : i32 to index
      %swap3A_174 = arith.index_cast %mul3A_171 : i32 to index
      %swap3A_175 = tpu.vector_load %arg6[%swap3A_173, %swap3A_174] {strides = array<i32>} : memref<16x2048xf32, #tpu.memory_space<vmem>>, vector<16xf32>,
      tpu.vector_store %arg6[%swap3A_173, %swap3A_174], %broadcast_in_dim3A_3 {strides = array<i32>} : memref<16x2048xf32, #tpu.memory_space<vmem>>, vector<16xf32>,
      %mul3A_176 = arith.constant 16 : i32
      %mul3A_177 = arith.muli %scan3A_56, %mul3A_176 : i32
      %swap3A_178 = arith.constant 10 : i32
      %swap3A_179 = arith.index_cast %swap3A_178 : i32 to index
      %swap3A_180 = arith.index_cast %mul3A_177 : i32 to index
      %swap3A_181 = tpu.vector_load %arg5[%swap3A_179, %swap3A_180] {strides = array<i32>} : memref<16x2048xf32, #tpu.memory_space<vmem>>, vector<16xf32>,
      tpu.vector_store %arg5[%swap3A_179, %swap3A_180], %broadcast_in_dim3A_3 {strides = array<i32>} : memref<16x2048xf32, #tpu.memory_space<vmem>>, vector<16xf32>,
      %mul3A_182 = arith.constant 16 : i32
      %mul3A_183 = arith.muli %scan3A_56, %mul3A_182 : i32
      %swap3A_184 = arith.constant 10 : i32
      %swap3A_185 = arith.index_cast %swap3A_184 : i32 to index
      %swap3A_186 = arith.index_cast %mul3A_183 : i32 to index
      %swap3A_187 = tpu.vector_load %arg6[%swap3A_185, %swap3A_186] {strides = array<i32>} : memref<16x2048xf32, #tpu.memory_space<vmem>>, vector<16xf32>,
      tpu.vector_store %arg6[%swap3A_185, %swap3A_186], %broadcast_in_dim3A_3 {strides = array<i32>} : memref<16x2048xf32, #tpu.memory_space<vmem>>, vector<16xf32>,
      %mul3A_188 = arith.constant 16 : i32
      %mul3A_189 = arith.muli %scan3A_56, %mul3A_188 : i32
      %swap3A_190 = arith.constant 11 : i32
      %swap3A_191 = arith.index_cast %swap3A_190 : i32 to index
      %swap3A_192 = arith.index_cast %mul3A_189 : i32 to index
      %swap3A_193 = tpu.vector_load %arg5[%swap3A_191, %swap3A_192] {strides = array<i32>} : memref<16x2048xf32, #tpu.memory_space<vmem>>, vector<16xf32>,
      tpu.vector_store %arg5[%swap3A_191, %swap3A_192], %broadcast_in_dim3A_3 {strides = array<i32>} : memref<16x2048xf32, #tpu.memory_space<vmem>>, vector<16xf32>,
      %mul3A_194 = arith.constant 16 : i32
      %mul3A_195 = arith.muli %scan3A_56, %mul3A_194 : i32
      %swap3A_196 = arith.constant 11 : i32
      %swap3A_197 = arith.index_cast %swap3A_196 : i32 to index
      %swap3A_198 = arith.index_cast %mul3A_195 : i32 to index
      %swap3A_199 = tpu.vector_load %arg6[%swap3A_197, %swap3A_198] {strides = array<i32>} : memref<16x2048xf32, #tpu.memory_space<vmem>>, vector<16xf32>,
      tpu.vector_store %arg6[%swap3A_197, %swap3A_198], %broadcast_in_dim3A_3 {strides = array<i32>} : memref<16x2048xf32, #tpu.memory_space<vmem>>, vector<16xf32>,
      %mul3A_200 = arith.constant 16 : i32
      %mul3A_201 = arith.muli %scan3A_56, %mul3A_200 : i32
      %swap3A_202 = arith.constant 12 : i32
      %swap3A_203 = arith.index_cast %swap3A_202 : i32 to index
      %swap3A_204 = arith.index_cast %mul3A_201 : i32 to index
      %swap3A_205 = tpu.vector_load %arg5[%swap3A_203, %swap3A_204] {strides = array<i32>} : memref<16x2048xf32, #tpu.memory_space<vmem>>, vector<16xf32>,
      tpu.vector_store %arg5[%swap3A_203, %swap3A_204], %broadcast_in_dim3A_3 {strides = array<i32>} : memref<16x2048xf32, #tpu.memory_space<vmem>>, vector<16xf32>,
      %mul3A_206 = arith.constant 16 : i32
      %mul3A_207 = arith.muli %scan3A_56, %mul3A_206 : i32
      %swap3A_208 = arith.constant 12 : i32
      %swap3A_209 = arith.index_cast %swap3A_208 : i32 to index
      %swap3A_210 = arith.index_cast %mul3A_207 : i32 to index
      %swap3A_211 = tpu.vector_load %arg6[%swap3A_209, %swap3A_210] {strides = array<i32>} : memref<16x2048xf32, #tpu.memory_space<vmem>>, vector<16xf32>,
      tpu.vector_store %arg6[%swap3A_209, %swap3A_210], %broadcast_in_dim3A_3 {strides = array<i32>} : memref<16x2048xf32, #tpu.memory_space<vmem>>, vector<16xf32>,
      %mul3A_212 = arith.constant 16 : i32
      %mul3A_213 = arith.muli %scan3A_56, %mul3A_212 : i32
      %swap3A_214 = arith.constant 13 : i32
      %swap3A_215 = arith.index_cast %swap3A_214 : i32 to index
      %swap3A_216 = arith.index_cast %mul3A_213 : i32 to index
      %swap3A_217 = tpu.vector_load %arg5[%swap3A_215, %swap3A_216] {strides = array<i32>} : memref<16x2048xf32, #tpu.memory_space<vmem>>, vector<16xf32>,
      tpu.vector_store %arg5[%swap3A_215, %swap3A_216], %broadcast_in_dim3A_3 {strides = array<i32>} : memref<16x2048xf32, #tpu.memory_space<vmem>>, vector<16xf32>,
      %mul3A_218 = arith.constant 16 : i32
      %mul3A_219 = arith.muli %scan3A_56, %mul3A_218 : i32
      %swap3A_220 = arith.constant 13 : i32
      %swap3A_221 = arith.index_cast %swap3A_220 : i32 to index
      %swap3A_222 = arith.index_cast %mul3A_219 : i32 to index
      %swap3A_223 = tpu.vector_load %arg6[%swap3A_221, %swap3A_222] {strides = array<i32>} : memref<16x2048xf32, #tpu.memory_space<vmem>>, vector<16xf32>,
      tpu.vector_store %arg6[%swap3A_221, %swap3A_222], %broadcast_in_dim3A_3 {strides = array<i32>} : memref<16x2048xf32, #tpu.memory_space<vmem>>, vector<16xf32>,
      %mul3A_224 = arith.constant 16 : i32
      %mul3A_225 = arith.muli %scan3A_56, %mul3A_224 : i32
      %swap3A_226 = arith.constant 14 : i32
      %swap3A_227 = arith.index_cast %swap3A_226 : i32 to index
      %swap3A_228 = arith.index_cast %mul3A_225 : i32 to index
      %swap3A_229 = tpu.vector_load %arg5[%swap3A_227, %swap3A_228] {strides = array<i32>} : memref<16x2048xf32, #tpu.memory_space<vmem>>, vector<16xf32>,
      tpu.vector_store %arg5[%swap3A_227, %swap3A_228], %broadcast_in_dim3A_3 {strides = array<i32>} : memref<16x2048xf32, #tpu.memory_space<vmem>>, vector<16xf32>,
      %mul3A_230 = arith.constant 16 : i32
      %mul3A_231 = arith.muli %scan3A_56, %mul3A_230 : i32
      %swap3A_232 = arith.constant 14 : i32
      %swap3A_233 = arith.index_cast %swap3A_232 : i32 to index
      %swap3A_234 = arith.index_cast %mul3A_231 : i32 to index
      %swap3A_235 = tpu.vector_load %arg6[%swap3A_233, %swap3A_234] {strides = array<i32>} : memref<16x2048xf32, #tpu.memory_space<vmem>>, vector<16xf32>,
      tpu.vector_store %arg6[%swap3A_233, %swap3A_234], %broadcast_in_dim3A_3 {strides = array<i32>} : memref<16x2048xf32, #tpu.memory_space<vmem>>, vector<16xf32>,
      %mul3A_236 = arith.constant 16 : i32
      %mul3A_237 = arith.muli %scan3A_56, %mul3A_236 : i32
      %swap3A_238 = arith.constant 15 : i32
      %swap3A_239 = arith.index_cast %swap3A_238 : i32 to index
      %swap3A_240 = arith.index_cast %mul3A_237 : i32 to index
      %swap3A_241 = tpu.vector_load %arg5[%swap3A_239, %swap3A_240] {strides = array<i32>} : memref<16x2048xf32, #tpu.memory_space<vmem>>, vector<16xf32>,
      tpu.vector_store %arg5[%swap3A_239, %swap3A_240], %broadcast_in_dim3A_3 {strides = array<i32>} : memref<16x2048xf32, #tpu.memory_space<vmem>>, vector<16xf32>,
      %mul3A_242 = arith.constant 16 : i32
      %mul3A_243 = arith.muli %scan3A_56, %mul3A_242 : i32
      %swap3A_244 = arith.constant 15 : i32
      %swap3A_245 = arith.index_cast %swap3A_244 : i32 to index
      %swap3A_246 = arith.index_cast %mul3A_243 : i32 to index
      %swap3A_247 = tpu.vector_load %arg6[%swap3A_245, %swap3A_246] {strides = array<i32>} : memref<16x2048xf32, #tpu.memory_space<vmem>>, vector<16xf32>,
      tpu.vector_store %arg6[%swap3A_245, %swap3A_246], %broadcast_in_dim3A_3 {strides = array<i32>} : memref<16x2048xf32, #tpu.memory_space<vmem>>, vector<16xf32>,
    }
    %scan3A_10 = arith.constant 128 : i32
    %get3A = arith.constant 0 : index
    %get3A_11 = tpu.vector_load %arg4[%get3A] {strides = array<i32>} : memref<64xi32, #tpu.memory_space<vmem>>, vector<16xi32>,
    tpu.vector_store_idx %arg5[%iota3A, %get3A_11], %broadcast_in_dim3A_5 : memref<16x2048xf32, #tpu.memory_space<vmem>>[vector<16xi32>, vector<16xi32>], vector<16xf32>,
    %add3A_12 = arith.constant 0 : i32
    %add3A_13 = arith.addi %mul3A_2, %add3A_12 : i32
    %dma_start3A = arith.constant 0 : i32
    %dma_start3A_14 = tpu.memref_slice %arg3[%add3A_13, %dma_start3A] : memref<2048x2048xf32, #tpu.memory_space<hbm>> -> memref<16x2048xf32, #tpu.memory_space<hbm>>
    %dma_start3A_15 = arith.constant 0 : i32
    %dma_start3A_16 = tpu.memref_slice %arg3[%add3A_13, %dma_start3A_15] : memref<2048x2048xf32, #tpu.memory_space<hbm>> -> memref<16x2048xf32, #tpu.memory_space<hbm>>
    tpu.enqueue_dma source(%arg5 : memref<16x2048xf32, #tpu.memory_space<vmem>>) target(%dma_start3A_16 : memref<16x2048xf32, #tpu.memory_space<hbm>>) target_semaphore(%arg7 : memref<!tpu.dma_semaphore, #tpu.memory_space<semaphore_mem>>)
    %get3A_17 = arith.constant 16 : index
    %get3A_18 = tpu.vector_load %arg4[%get3A_17] {strides = array<i32>} : memref<64xi32, #tpu.memory_space<vmem>>, vector<16xi32>,
    tpu.vector_store_idx %arg6[%iota3A, %get3A_18], %broadcast_in_dim3A_5 : memref<16x2048xf32, #tpu.memory_space<vmem>>[vector<16xi32>, vector<16xi32>], vector<16xf32>,
    %add3A_19 = arith.constant 16 : i32
    %add3A_20 = arith.addi %mul3A_2, %add3A_19 : i32
    %dma_start3A_21 = arith.constant 0 : i32
    %dma_start3A_22 = tpu.memref_slice %arg3[%add3A_20, %dma_start3A_21] : memref<2048x2048xf32, #tpu.memory_space<hbm>> -> memref<16x2048xf32, #tpu.memory_space<hbm>>
    %dma_start3A_23 = arith.constant 0 : i32
    %dma_start3A_24 = tpu.memref_slice %arg3[%add3A_20, %dma_start3A_23] : memref<2048x2048xf32, #tpu.memory_space<hbm>> -> memref<16x2048xf32, #tpu.memory_space<hbm>>
    tpu.enqueue_dma source(%arg6 : memref<16x2048xf32, #tpu.memory_space<vmem>>) target(%dma_start3A_24 : memref<16x2048xf32, #tpu.memory_space<hbm>>) target_semaphore(%arg8 : memref<!tpu.dma_semaphore, #tpu.memory_space<semaphore_mem>>)
    %dma_wait3A = arith.constant 0 : i32
    %dma_wait3A_25 = tpu.memref_slice %arg3[%add3A_13, %dma_wait3A] : memref<2048x2048xf32, #tpu.memory_space<hbm>> -> memref<16x2048xf32, #tpu.memory_space<hbm>>
    %dma_wait3A_26 = arith.constant 0 : i32
    %dma_wait3A_27 = tpu.memref_slice %arg3[%add3A_13, %dma_wait3A_26] : memref<2048x2048xf32, #tpu.memory_space<hbm>> -> memref<16x2048xf32, #tpu.memory_space<hbm>>
    tpu.wait_dma2 semaphore(%arg7 : memref<!tpu.dma_semaphore, #tpu.memory_space<semaphore_mem>>) src(%arg5 : memref<16x2048xf32, #tpu.memory_space<vmem>>) dst(%dma_wait3A_27 : memref<16x2048xf32, #tpu.memory_space<hbm>>)
    tpu.vector_store_idx %arg5[%iota3A, %get3A_11], %broadcast_in_dim3A_3 : memref<16x2048xf32, #tpu.memory_space<vmem>>[vector<16xi32>, vector<16xi32>], vector<16xf32>,
    %get3A_28 = arith.constant 32 : index
    %get3A_29 = tpu.vector_load %arg4[%get3A_28] {strides = array<i32>} : memref<64xi32, #tpu.memory_space<vmem>>, vector<16xi32>,
    tpu.vector_store_idx %arg5[%iota3A, %get3A_29], %broadcast_in_dim3A_5 : memref<16x2048xf32, #tpu.memory_space<vmem>>[vector<16xi32>, vector<16xi32>], vector<16xf32>,
    %add3A_30 = arith.constant 32 : i32
    %add3A_31 = arith.addi %mul3A_2, %add3A_30 : i32
    %dma_start3A_32 = arith.constant 0 : i32
    %dma_start3A_33 = tpu.memref_slice %arg3[%add3A_31, %dma_start3A_32] : memref<2048x2048xf32, #tpu.memory_space<hbm>> -> memref<16x2048xf32, #tpu.memory_space<hbm>>
    %dma_start3A_34 = arith.constant 0 : i32
    %dma_start3A_35 = tpu.memref_slice %arg3[%add3A_31, %dma_start3A_34] : memref<2048x2048xf32, #tpu.memory_space<hbm>> -> memref<16x2048xf32, #tpu.memory_space<hbm>>
    tpu.enqueue_dma source(%arg5 : memref<16x2048xf32, #tpu.memory_space<vmem>>) target(%dma_start3A_35 : memref<16x2048xf32, #tpu.memory_space<hbm>>) target_semaphore(%arg7 : memref<!tpu.dma_semaphore, #tpu.memory_space<semaphore_mem>>)
    %dma_wait3A_36 = arith.constant 0 : i32
    %dma_wait3A_37 = tpu.memref_slice %arg3[%add3A_20, %dma_wait3A_36] : memref<2048x2048xf32, #tpu.memory_space<hbm>> -> memref<16x2048xf32, #tpu.memory_space<hbm>>
    %dma_wait3A_38 = arith.constant 0 : i32
    %dma_wait3A_39 = tpu.memref_slice %arg3[%add3A_20, %dma_wait3A_38] : memref<2048x2048xf32, #tpu.memory_space<hbm>> -> memref<16x2048xf32, #tpu.memory_space<hbm>>
    tpu.wait_dma2 semaphore(%arg8 : memref<!tpu.dma_semaphore, #tpu.memory_space<semaphore_mem>>) src(%arg6 : memref<16x2048xf32, #tpu.memory_space<vmem>>) dst(%dma_wait3A_39 : memref<16x2048xf32, #tpu.memory_space<hbm>>)
    tpu.vector_store_idx %arg6[%iota3A, %get3A_18], %broadcast_in_dim3A_3 : memref<16x2048xf32, #tpu.memory_space<vmem>>[vector<16xi32>, vector<16xi32>], vector<16xf32>,
    %get3A_40 = arith.constant 48 : index
    %get3A_41 = tpu.vector_load %arg4[%get3A_40] {strides = array<i32>} : memref<64xi32, #tpu.memory_space<vmem>>, vector<16xi32>,
    tpu.vector_store_idx %arg6[%iota3A, %get3A_41], %broadcast_in_dim3A_5 : memref<16x2048xf32, #tpu.memory_space<vmem>>[vector<16xi32>, vector<16xi32>], vector<16xf32>,
    %add3A_42 = arith.constant 48 : i32
    %add3A_43 = arith.addi %mul3A_2, %add3A_42 : i32
    %dma_start3A_44 = arith.constant 0 : i32
    %dma_start3A_45 = tpu.memref_slice %arg3[%add3A_43, %dma_start3A_44] : memref<2048x2048xf32, #tpu.memory_space<hbm>> -> memref<16x2048xf32, #tpu.memory_space<hbm>>
    %dma_start3A_46 = arith.constant 0 : i32
    %dma_start3A_47 = tpu.memref_slice %arg3[%add3A_43, %dma_start3A_46] : memref<2048x2048xf32, #tpu.memory_space<hbm>> -> memref<16x2048xf32, #tpu.memory_space<hbm>>
    tpu.enqueue_dma source(%arg6 : memref<16x2048xf32, #tpu.memory_space<vmem>>) target(%dma_start3A_47 : memref<16x2048xf32, #tpu.memory_space<hbm>>) target_semaphore(%arg8 : memref<!tpu.dma_semaphore, #tpu.memory_space<semaphore_mem>>)
    %dma_wait3A_48 = arith.constant 0 : i32
    %dma_wait3A_49 = tpu.memref_slice %arg3[%add3A_31, %dma_wait3A_48] : memref<2048x2048xf32, #tpu.memory_space<hbm>> -> memref<16x2048xf32, #tpu.memory_space<hbm>>
    %dma_wait3A_50 = arith.constant 0 : i32
    %dma_wait3A_51 = tpu.memref_slice %arg3[%add3A_31, %dma_wait3A_50] : memref<2048x2048xf32, #tpu.memory_space<hbm>> -> memref<16x2048xf32, #tpu.memory_space<hbm>>
    tpu.wait_dma2 semaphore(%arg7 : memref<!tpu.dma_semaphore, #tpu.memory_space<semaphore_mem>>) src(%arg5 : memref<16x2048xf32, #tpu.memory_space<vmem>>) dst(%dma_wait3A_51 : memref<16x2048xf32, #tpu.memory_space<hbm>>)
    %dma_wait3A_52 = arith.constant 0 : i32
    %dma_wait3A_53 = tpu.memref_slice %arg3[%add3A_43, %dma_wait3A_52] : memref<2048x2048xf32, #tpu.memory_space<hbm>> -> memref<16x2048xf32, #tpu.memory_space<hbm>>
    %dma_wait3A_54 = arith.constant 0 : i32
    %dma_wait3A_55 = tpu.memref_slice %arg3[%add3A_43, %dma_wait3A_54] : memref<2048x2048xf32, #tpu.memory_space<hbm>> -> memref<16x2048xf32, #tpu.memory_space<hbm>>
    tpu.wait_dma2 semaphore(%arg8 : memref<!tpu.dma_semaphore, #tpu.memory_space<semaphore_mem>>) src(%arg6 : memref<16x2048xf32, #tpu.memory_space<vmem>>) dst(%dma_wait3A_55 : memref<16x2048xf32, #tpu.memory_space<hbm>>)
    return
  }
}

module attributes {stable_mosaic.version = 14 : i64} {
  func.func @_tc_body(%arg0: i32, %arg1: memref<128x1xi32, #tpu.memory_space<vmem>>, %arg2: memref<1x2048xi32, #tpu.memory_space<vmem>>, %arg3: memref<4x4xf32, #tpu.memory_space<vmem>>, %arg4: memref<1x8x128x2048xf32, #tpu.memory_space<vmem>>) attributes {dimension_semantics = [#tpu.dimension_semantics<arbitrary>], iteration_bounds = array<i64: 16>, scalar_prefetch = 0 : i64, scratch_operands = 0 : i64, tpu.core_type = #tpu.core_type<tc>, window_params = [{transform_indices = @transform_0, window_bounds = array<i64: 128, 1>}, {pipeline_mode = #tpu.pipeline_mode<synchronous>, transform_indices = @transform_1, window_bounds = array<i64: 1, 2048>}, {pipeline_mode = #tpu.pipeline_mode<synchronous>, transform_indices = @transform_2, window_bounds = array<i64: 4, 4>}, {transform_indices = @transform_3, window_bounds = array<i64: 1, 8, 128, 2048>}]} {
    %get3A = arith.constant 0 : index
    %get3A_0 = arith.constant 0 : index
    %get3A_1 = vector.load %arg3[%get3A, %get3A_0] : memref<4x4xf32, #tpu.memory_space<vmem>>, vector<4x4xf32>
    %get3A_2 = arith.constant 0 : index
    %get3A_3 = arith.constant 0 : index
    %get3A_4 = vector.load %arg1[%get3A_2, %get3A_3] : memref<128x1xi32, #tpu.memory_space<vmem>>, vector<128x1xi32>
    %get3A_5 = arith.constant 0 : index
    %get3A_6 = arith.constant 0 : index
    %get3A_7 = vector.load %arg2[%get3A_5, %get3A_6] : memref<1x2048xi32, #tpu.memory_space<vmem>>, vector<1x2048xi32>
    %broadcast_in_dim3A = arith.constant 0.000000e+00 : f32
    %broadcast_in_dim3A_8 = vector.broadcast %broadcast_in_dim3A : f32 to vector<128x1xf32>
    %broadcast_in_dim3A_9 = arith.constant 0.000000e+00 : f32
    %broadcast_in_dim3A_10 = vector.broadcast %broadcast_in_dim3A_9 : f32 to vector<1x2048xf32>
    %eq3A = arith.constant 0 : i32
    %eq3A_11 = vector.broadcast %eq3A : i32 to vector<128x1xi32>
    %eq3A_12 = arith.cmpi eq, %get3A_4, %eq3A_11 : vector<128x1xi32>
    %slice3A = vector.extract_strided_slice %get3A_1 {offsets = [0, 0], sizes = [1, 1], strides = [1, 1]} : vector<4x4xf32> to vector<1x1xf32>
    %squeeze3A = vector.extract %slice3A[0, 0] : f32 from vector<1x1xf32>
    %jit3A = arith.constant 0.000000e+00 : f32
    %broadcast_in_dim3A_13 = vector.broadcast %squeeze3A : f32 to vector<128x1xf32>
    %broadcast_in_dim3A_14 = vector.broadcast %jit3A : f32 to vector<128x1xf32>
    %select_n3A = arith.select %eq3A_12, %broadcast_in_dim3A_13, %broadcast_in_dim3A_14 : vector<128x1xi1>, vector<128x1xf32>
    %add3A = arith.addf %broadcast_in_dim3A_8, %select_n3A : vector<128x1xf32>
    %eq3A_15 = arith.constant 0 : i32
    %eq3A_16 = vector.broadcast %eq3A_15 : i32 to vector<1x2048xi32>
    %eq3A_17 = arith.cmpi eq, %get3A_7, %eq3A_16 : vector<1x2048xi32>
    %slice3A_18 = vector.extract_strided_slice %get3A_1 {offsets = [0, 0], sizes = [1, 1], strides = [1, 1]} : vector<4x4xf32> to vector<1x1xf32>
    %squeeze3A_19 = vector.extract %slice3A_18[0, 0] : f32 from vector<1x1xf32>
    %jit3A_20 = arith.constant 0.000000e+00 : f32
    %broadcast_in_dim3A_21 = vector.broadcast %squeeze3A_19 : f32 to vector<1x2048xf32>
    %broadcast_in_dim3A_22 = vector.broadcast %jit3A_20 : f32 to vector<1x2048xf32>
    %select_n3A_23 = arith.select %eq3A_17, %broadcast_in_dim3A_21, %broadcast_in_dim3A_22 : vector<1x2048xi1>, vector<1x2048xf32>
    %add3A_24 = arith.addf %broadcast_in_dim3A_10, %select_n3A_23 : vector<1x2048xf32>
    %eq3A_25 = arith.constant 1 : i32
    %eq3A_26 = vector.broadcast %eq3A_25 : i32 to vector<128x1xi32>
    %eq3A_27 = arith.cmpi eq, %get3A_4, %eq3A_26 : vector<128x1xi32>
    %slice3A_28 = vector.extract_strided_slice %get3A_1 {offsets = [1, 0], sizes = [1, 1], strides = [1, 1]} : vector<4x4xf32> to vector<1x1xf32>
    %squeeze3A_29 = vector.extract %slice3A_28[0, 0] : f32 from vector<1x1xf32>
    %jit3A_30 = arith.constant 0.000000e+00 : f32
    %broadcast_in_dim3A_31 = vector.broadcast %squeeze3A_29 : f32 to vector<128x1xf32>
    %broadcast_in_dim3A_32 = vector.broadcast %jit3A_30 : f32 to vector<128x1xf32>
    %select_n3A_33 = arith.select %eq3A_27, %broadcast_in_dim3A_31, %broadcast_in_dim3A_32 : vector<128x1xi1>, vector<128x1xf32>
    %add3A_34 = arith.addf %add3A, %select_n3A_33 : vector<128x1xf32>
    %eq3A_35 = arith.constant 1 : i32
    %eq3A_36 = vector.broadcast %eq3A_35 : i32 to vector<1x2048xi32>
    %eq3A_37 = arith.cmpi eq, %get3A_7, %eq3A_36 : vector<1x2048xi32>
    %slice3A_38 = vector.extract_strided_slice %get3A_1 {offsets = [1, 0], sizes = [1, 1], strides = [1, 1]} : vector<4x4xf32> to vector<1x1xf32>
    %squeeze3A_39 = vector.extract %slice3A_38[0, 0] : f32 from vector<1x1xf32>
    %jit3A_40 = arith.constant 0.000000e+00 : f32
    %broadcast_in_dim3A_41 = vector.broadcast %squeeze3A_39 : f32 to vector<1x2048xf32>
    %broadcast_in_dim3A_42 = vector.broadcast %jit3A_40 : f32 to vector<1x2048xf32>
    %select_n3A_43 = arith.select %eq3A_37, %broadcast_in_dim3A_41, %broadcast_in_dim3A_42 : vector<1x2048xi1>, vector<1x2048xf32>
    %add3A_44 = arith.addf %add3A_24, %select_n3A_43 : vector<1x2048xf32>
    %eq3A_45 = arith.constant 2 : i32
    %eq3A_46 = vector.broadcast %eq3A_45 : i32 to vector<128x1xi32>
    %eq3A_47 = arith.cmpi eq, %get3A_4, %eq3A_46 : vector<128x1xi32>
    %slice3A_48 = vector.extract_strided_slice %get3A_1 {offsets = [2, 0], sizes = [1, 1], strides = [1, 1]} : vector<4x4xf32> to vector<1x1xf32>
    %squeeze3A_49 = vector.extract %slice3A_48[0, 0] : f32 from vector<1x1xf32>
    %jit3A_50 = arith.constant 0.000000e+00 : f32
    %broadcast_in_dim3A_51 = vector.broadcast %squeeze3A_49 : f32 to vector<128x1xf32>
    %broadcast_in_dim3A_52 = vector.broadcast %jit3A_50 : f32 to vector<128x1xf32>
    %select_n3A_53 = arith.select %eq3A_47, %broadcast_in_dim3A_51, %broadcast_in_dim3A_52 : vector<128x1xi1>, vector<128x1xf32>
    %add3A_54 = arith.addf %add3A_34, %select_n3A_53 : vector<128x1xf32>
    %eq3A_55 = arith.constant 2 : i32
    %eq3A_56 = vector.broadcast %eq3A_55 : i32 to vector<1x2048xi32>
    %eq3A_57 = arith.cmpi eq, %get3A_7, %eq3A_56 : vector<1x2048xi32>
    %slice3A_58 = vector.extract_strided_slice %get3A_1 {offsets = [2, 0], sizes = [1, 1], strides = [1, 1]} : vector<4x4xf32> to vector<1x1xf32>
    %squeeze3A_59 = vector.extract %slice3A_58[0, 0] : f32 from vector<1x1xf32>
    %jit3A_60 = arith.constant 0.000000e+00 : f32
    %broadcast_in_dim3A_61 = vector.broadcast %squeeze3A_59 : f32 to vector<1x2048xf32>
    %broadcast_in_dim3A_62 = vector.broadcast %jit3A_60 : f32 to vector<1x2048xf32>
    %select_n3A_63 = arith.select %eq3A_57, %broadcast_in_dim3A_61, %broadcast_in_dim3A_62 : vector<1x2048xi1>, vector<1x2048xf32>
    %add3A_64 = arith.addf %add3A_44, %select_n3A_63 : vector<1x2048xf32>
    %eq3A_65 = arith.constant 3 : i32
    %eq3A_66 = vector.broadcast %eq3A_65 : i32 to vector<128x1xi32>
    %eq3A_67 = arith.cmpi eq, %get3A_4, %eq3A_66 : vector<128x1xi32>
    %slice3A_68 = vector.extract_strided_slice %get3A_1 {offsets = [3, 0], sizes = [1, 1], strides = [1, 1]} : vector<4x4xf32> to vector<1x1xf32>
    %squeeze3A_69 = vector.extract %slice3A_68[0, 0] : f32 from vector<1x1xf32>
    %jit3A_70 = arith.constant 0.000000e+00 : f32
    %broadcast_in_dim3A_71 = vector.broadcast %squeeze3A_69 : f32 to vector<128x1xf32>
    %broadcast_in_dim3A_72 = vector.broadcast %jit3A_70 : f32 to vector<128x1xf32>
    %select_n3A_73 = arith.select %eq3A_67, %broadcast_in_dim3A_71, %broadcast_in_dim3A_72 : vector<128x1xi1>, vector<128x1xf32>
    %add3A_74 = arith.addf %add3A_54, %select_n3A_73 : vector<128x1xf32>
    %eq3A_75 = arith.constant 3 : i32
    %eq3A_76 = vector.broadcast %eq3A_75 : i32 to vector<1x2048xi32>
    %eq3A_77 = arith.cmpi eq, %get3A_7, %eq3A_76 : vector<1x2048xi32>
    %slice3A_78 = vector.extract_strided_slice %get3A_1 {offsets = [3, 0], sizes = [1, 1], strides = [1, 1]} : vector<4x4xf32> to vector<1x1xf32>
    %squeeze3A_79 = vector.extract %slice3A_78[0, 0] : f32 from vector<1x1xf32>
    %jit3A_80 = arith.constant 0.000000e+00 : f32
    %broadcast_in_dim3A_81 = vector.broadcast %squeeze3A_79 : f32 to vector<1x2048xf32>
    %broadcast_in_dim3A_82 = vector.broadcast %jit3A_80 : f32 to vector<1x2048xf32>
    %select_n3A_83 = arith.select %eq3A_77, %broadcast_in_dim3A_81, %broadcast_in_dim3A_82 : vector<1x2048xi1>, vector<1x2048xf32>
    %add3A_84 = arith.addf %add3A_64, %select_n3A_83 : vector<1x2048xf32>
    %broadcast_in_dim3A_85 = vector.shape_cast %add3A_74 : vector<128x1xf32> to vector<128x1xf32>
    %broadcast_in_dim3A_86 = vector.broadcast %broadcast_in_dim3A_85 : vector<128x1xf32> to vector<128x2048xf32>
    %swap3A = arith.constant 0 : index
    %swap3A_87 = arith.constant 0 : index
    %swap3A_88 = arith.constant 0 : index
    %swap3A_89 = arith.constant 0 : index
    %swap3A_90 = vector.load %arg4[%swap3A, %swap3A_87, %swap3A_88, %swap3A_89] : memref<1x8x128x2048xf32, #tpu.memory_space<vmem>>, vector<1x1x128x2048xf32>
    %swap3A_91 = vector.shape_cast %swap3A_90 : vector<1x1x128x2048xf32> to vector<128x2048xf32>
    %swap3A_92 = vector.shape_cast %broadcast_in_dim3A_86 : vector<128x2048xf32> to vector<1x1x128x2048xf32>
    tpu.vector_store %arg4[%swap3A, %swap3A_87, %swap3A_88, %swap3A_89], %swap3A_92 {strides = array<i32>} : memref<1x8x128x2048xf32, #tpu.memory_space<vmem>>, vector<1x1x128x2048xf32>,
    %broadcast_in_dim3A_93 = vector.shape_cast %add3A_84 : vector<1x2048xf32> to vector<1x2048xf32>
    %broadcast_in_dim3A_94 = vector.broadcast %broadcast_in_dim3A_93 : vector<1x2048xf32> to vector<128x2048xf32>
    %swap3A_95 = arith.constant 0 : index
    %swap3A_96 = arith.constant 4 : index
    %swap3A_97 = arith.constant 0 : index
    %swap3A_98 = arith.constant 0 : index
    %swap3A_99 = vector.load %arg4[%swap3A_95, %swap3A_96, %swap3A_97, %swap3A_98] : memref<1x8x128x2048xf32, #tpu.memory_space<vmem>>, vector<1x1x128x2048xf32>
    %swap3A_100 = vector.shape_cast %swap3A_99 : vector<1x1x128x2048xf32> to vector<128x2048xf32>
    %swap3A_101 = vector.shape_cast %broadcast_in_dim3A_94 : vector<128x2048xf32> to vector<1x1x128x2048xf32>
    tpu.vector_store %arg4[%swap3A_95, %swap3A_96, %swap3A_97, %swap3A_98], %swap3A_101 {strides = array<i32>} : memref<1x8x128x2048xf32, #tpu.memory_space<vmem>>, vector<1x1x128x2048xf32>,
    %broadcast_in_dim3A_102 = arith.constant 0.000000e+00 : f32
    %broadcast_in_dim3A_103 = vector.broadcast %broadcast_in_dim3A_102 : f32 to vector<128x1xf32>
    %broadcast_in_dim3A_104 = arith.constant 0.000000e+00 : f32
    %broadcast_in_dim3A_105 = vector.broadcast %broadcast_in_dim3A_104 : f32 to vector<1x2048xf32>
    %eq3A_106 = arith.constant 0 : i32
    %eq3A_107 = vector.broadcast %eq3A_106 : i32 to vector<128x1xi32>
    %eq3A_108 = arith.cmpi eq, %get3A_4, %eq3A_107 : vector<128x1xi32>
    %slice3A_109 = vector.extract_strided_slice %get3A_1 {offsets = [0, 1], sizes = [1, 1], strides = [1, 1]} : vector<4x4xf32> to vector<1x1xf32>
    %squeeze3A_110 = vector.extract %slice3A_109[0, 0] : f32 from vector<1x1xf32>
    %jit3A_111 = arith.constant 0.000000e+00 : f32
    %broadcast_in_dim3A_112 = vector.broadcast %squeeze3A_110 : f32 to vector<128x1xf32>
    %broadcast_in_dim3A_113 = vector.broadcast %jit3A_111 : f32 to vector<128x1xf32>
    %select_n3A_114 = arith.select %eq3A_108, %broadcast_in_dim3A_112, %broadcast_in_dim3A_113 : vector<128x1xi1>, vector<128x1xf32>
    %add3A_115 = arith.addf %broadcast_in_dim3A_103, %select_n3A_114 : vector<128x1xf32>
    %eq3A_116 = arith.constant 0 : i32
    %eq3A_117 = vector.broadcast %eq3A_116 : i32 to vector<1x2048xi32>
    %eq3A_118 = arith.cmpi eq, %get3A_7, %eq3A_117 : vector<1x2048xi32>
    %slice3A_119 = vector.extract_strided_slice %get3A_1 {offsets = [0, 1], sizes = [1, 1], strides = [1, 1]} : vector<4x4xf32> to vector<1x1xf32>
    %squeeze3A_120 = vector.extract %slice3A_119[0, 0] : f32 from vector<1x1xf32>
    %jit3A_121 = arith.constant 0.000000e+00 : f32
    %broadcast_in_dim3A_122 = vector.broadcast %squeeze3A_120 : f32 to vector<1x2048xf32>
    %broadcast_in_dim3A_123 = vector.broadcast %jit3A_121 : f32 to vector<1x2048xf32>
    %select_n3A_124 = arith.select %eq3A_118, %broadcast_in_dim3A_122, %broadcast_in_dim3A_123 : vector<1x2048xi1>, vector<1x2048xf32>
    %add3A_125 = arith.addf %broadcast_in_dim3A_105, %select_n3A_124 : vector<1x2048xf32>
    %eq3A_126 = arith.constant 1 : i32
    %eq3A_127 = vector.broadcast %eq3A_126 : i32 to vector<128x1xi32>
    %eq3A_128 = arith.cmpi eq, %get3A_4, %eq3A_127 : vector<128x1xi32>
    %slice3A_129 = vector.extract_strided_slice %get3A_1 {offsets = [1, 1], sizes = [1, 1], strides = [1, 1]} : vector<4x4xf32> to vector<1x1xf32>
    %squeeze3A_130 = vector.extract %slice3A_129[0, 0] : f32 from vector<1x1xf32>
    %jit3A_131 = arith.constant 0.000000e+00 : f32
    %broadcast_in_dim3A_132 = vector.broadcast %squeeze3A_130 : f32 to vector<128x1xf32>
    %broadcast_in_dim3A_133 = vector.broadcast %jit3A_131 : f32 to vector<128x1xf32>
    %select_n3A_134 = arith.select %eq3A_128, %broadcast_in_dim3A_132, %broadcast_in_dim3A_133 : vector<128x1xi1>, vector<128x1xf32>
    %add3A_135 = arith.addf %add3A_115, %select_n3A_134 : vector<128x1xf32>
    %eq3A_136 = arith.constant 1 : i32
    %eq3A_137 = vector.broadcast %eq3A_136 : i32 to vector<1x2048xi32>
    %eq3A_138 = arith.cmpi eq, %get3A_7, %eq3A_137 : vector<1x2048xi32>
    %slice3A_139 = vector.extract_strided_slice %get3A_1 {offsets = [1, 1], sizes = [1, 1], strides = [1, 1]} : vector<4x4xf32> to vector<1x1xf32>
    %squeeze3A_140 = vector.extract %slice3A_139[0, 0] : f32 from vector<1x1xf32>
    %jit3A_141 = arith.constant 0.000000e+00 : f32
    %broadcast_in_dim3A_142 = vector.broadcast %squeeze3A_140 : f32 to vector<1x2048xf32>
    %broadcast_in_dim3A_143 = vector.broadcast %jit3A_141 : f32 to vector<1x2048xf32>
    %select_n3A_144 = arith.select %eq3A_138, %broadcast_in_dim3A_142, %broadcast_in_dim3A_143 : vector<1x2048xi1>, vector<1x2048xf32>
    %add3A_145 = arith.addf %add3A_125, %select_n3A_144 : vector<1x2048xf32>
    %eq3A_146 = arith.constant 2 : i32
    %eq3A_147 = vector.broadcast %eq3A_146 : i32 to vector<128x1xi32>
    %eq3A_148 = arith.cmpi eq, %get3A_4, %eq3A_147 : vector<128x1xi32>
    %slice3A_149 = vector.extract_strided_slice %get3A_1 {offsets = [2, 1], sizes = [1, 1], strides = [1, 1]} : vector<4x4xf32> to vector<1x1xf32>
    %squeeze3A_150 = vector.extract %slice3A_149[0, 0] : f32 from vector<1x1xf32>
    %jit3A_151 = arith.constant 0.000000e+00 : f32
    %broadcast_in_dim3A_152 = vector.broadcast %squeeze3A_150 : f32 to vector<128x1xf32>
    %broadcast_in_dim3A_153 = vector.broadcast %jit3A_151 : f32 to vector<128x1xf32>
    %select_n3A_154 = arith.select %eq3A_148, %broadcast_in_dim3A_152, %broadcast_in_dim3A_153 : vector<128x1xi1>, vector<128x1xf32>
    %add3A_155 = arith.addf %add3A_135, %select_n3A_154 : vector<128x1xf32>
    %eq3A_156 = arith.constant 2 : i32
    %eq3A_157 = vector.broadcast %eq3A_156 : i32 to vector<1x2048xi32>
    %eq3A_158 = arith.cmpi eq, %get3A_7, %eq3A_157 : vector<1x2048xi32>
    %slice3A_159 = vector.extract_strided_slice %get3A_1 {offsets = [2, 1], sizes = [1, 1], strides = [1, 1]} : vector<4x4xf32> to vector<1x1xf32>
    %squeeze3A_160 = vector.extract %slice3A_159[0, 0] : f32 from vector<1x1xf32>
    %jit3A_161 = arith.constant 0.000000e+00 : f32
    %broadcast_in_dim3A_162 = vector.broadcast %squeeze3A_160 : f32 to vector<1x2048xf32>
    %broadcast_in_dim3A_163 = vector.broadcast %jit3A_161 : f32 to vector<1x2048xf32>
    %select_n3A_164 = arith.select %eq3A_158, %broadcast_in_dim3A_162, %broadcast_in_dim3A_163 : vector<1x2048xi1>, vector<1x2048xf32>
    %add3A_165 = arith.addf %add3A_145, %select_n3A_164 : vector<1x2048xf32>
    %eq3A_166 = arith.constant 3 : i32
    %eq3A_167 = vector.broadcast %eq3A_166 : i32 to vector<128x1xi32>
    %eq3A_168 = arith.cmpi eq, %get3A_4, %eq3A_167 : vector<128x1xi32>
    %slice3A_169 = vector.extract_strided_slice %get3A_1 {offsets = [3, 1], sizes = [1, 1], strides = [1, 1]} : vector<4x4xf32> to vector<1x1xf32>
    %squeeze3A_170 = vector.extract %slice3A_169[0, 0] : f32 from vector<1x1xf32>
    %jit3A_171 = arith.constant 0.000000e+00 : f32
    %broadcast_in_dim3A_172 = vector.broadcast %squeeze3A_170 : f32 to vector<128x1xf32>
    %broadcast_in_dim3A_173 = vector.broadcast %jit3A_171 : f32 to vector<128x1xf32>
    %select_n3A_174 = arith.select %eq3A_168, %broadcast_in_dim3A_172, %broadcast_in_dim3A_173 : vector<128x1xi1>, vector<128x1xf32>
    %add3A_175 = arith.addf %add3A_155, %select_n3A_174 : vector<128x1xf32>
    %eq3A_176 = arith.constant 3 : i32
    %eq3A_177 = vector.broadcast %eq3A_176 : i32 to vector<1x2048xi32>
    %eq3A_178 = arith.cmpi eq, %get3A_7, %eq3A_177 : vector<1x2048xi32>
    %slice3A_179 = vector.extract_strided_slice %get3A_1 {offsets = [3, 1], sizes = [1, 1], strides = [1, 1]} : vector<4x4xf32> to vector<1x1xf32>
    %squeeze3A_180 = vector.extract %slice3A_179[0, 0] : f32 from vector<1x1xf32>
    %jit3A_181 = arith.constant 0.000000e+00 : f32
    %broadcast_in_dim3A_182 = vector.broadcast %squeeze3A_180 : f32 to vector<1x2048xf32>
    %broadcast_in_dim3A_183 = vector.broadcast %jit3A_181 : f32 to vector<1x2048xf32>
    %select_n3A_184 = arith.select %eq3A_178, %broadcast_in_dim3A_182, %broadcast_in_dim3A_183 : vector<1x2048xi1>, vector<1x2048xf32>
    %add3A_185 = arith.addf %add3A_165, %select_n3A_184 : vector<1x2048xf32>
    %broadcast_in_dim3A_186 = vector.shape_cast %add3A_175 : vector<128x1xf32> to vector<128x1xf32>
    %broadcast_in_dim3A_187 = vector.broadcast %broadcast_in_dim3A_186 : vector<128x1xf32> to vector<128x2048xf32>
    %swap3A_188 = arith.constant 0 : index
    %swap3A_189 = arith.constant 1 : index
    %swap3A_190 = arith.constant 0 : index
    %swap3A_191 = arith.constant 0 : index
    %swap3A_192 = vector.load %arg4[%swap3A_188, %swap3A_189, %swap3A_190, %swap3A_191] : memref<1x8x128x2048xf32, #tpu.memory_space<vmem>>, vector<1x1x128x2048xf32>
    %swap3A_193 = vector.shape_cast %swap3A_192 : vector<1x1x128x2048xf32> to vector<128x2048xf32>
    %swap3A_194 = vector.shape_cast %broadcast_in_dim3A_187 : vector<128x2048xf32> to vector<1x1x128x2048xf32>
    tpu.vector_store %arg4[%swap3A_188, %swap3A_189, %swap3A_190, %swap3A_191], %swap3A_194 {strides = array<i32>} : memref<1x8x128x2048xf32, #tpu.memory_space<vmem>>, vector<1x1x128x2048xf32>,
    %broadcast_in_dim3A_195 = vector.shape_cast %add3A_185 : vector<1x2048xf32> to vector<1x2048xf32>
    %broadcast_in_dim3A_196 = vector.broadcast %broadcast_in_dim3A_195 : vector<1x2048xf32> to vector<128x2048xf32>
    %swap3A_197 = arith.constant 0 : index
    %swap3A_198 = arith.constant 5 : index
    %swap3A_199 = arith.constant 0 : index
    %swap3A_200 = arith.constant 0 : index
    %swap3A_201 = vector.load %arg4[%swap3A_197, %swap3A_198, %swap3A_199, %swap3A_200] : memref<1x8x128x2048xf32, #tpu.memory_space<vmem>>, vector<1x1x128x2048xf32>
    %swap3A_202 = vector.shape_cast %swap3A_201 : vector<1x1x128x2048xf32> to vector<128x2048xf32>
    %swap3A_203 = vector.shape_cast %broadcast_in_dim3A_196 : vector<128x2048xf32> to vector<1x1x128x2048xf32>
    tpu.vector_store %arg4[%swap3A_197, %swap3A_198, %swap3A_199, %swap3A_200], %swap3A_203 {strides = array<i32>} : memref<1x8x128x2048xf32, #tpu.memory_space<vmem>>, vector<1x1x128x2048xf32>,
    %broadcast_in_dim3A_204 = arith.constant 0.000000e+00 : f32
    %broadcast_in_dim3A_205 = vector.broadcast %broadcast_in_dim3A_204 : f32 to vector<128x1xf32>
    %broadcast_in_dim3A_206 = arith.constant 0.000000e+00 : f32
    %broadcast_in_dim3A_207 = vector.broadcast %broadcast_in_dim3A_206 : f32 to vector<1x2048xf32>
    %eq3A_208 = arith.constant 0 : i32
    %eq3A_209 = vector.broadcast %eq3A_208 : i32 to vector<128x1xi32>
    %eq3A_210 = arith.cmpi eq, %get3A_4, %eq3A_209 : vector<128x1xi32>
    %slice3A_211 = vector.extract_strided_slice %get3A_1 {offsets = [0, 2], sizes = [1, 1], strides = [1, 1]} : vector<4x4xf32> to vector<1x1xf32>
    %squeeze3A_212 = vector.extract %slice3A_211[0, 0] : f32 from vector<1x1xf32>
    %jit3A_213 = arith.constant 0.000000e+00 : f32
    %broadcast_in_dim3A_214 = vector.broadcast %squeeze3A_212 : f32 to vector<128x1xf32>
    %broadcast_in_dim3A_215 = vector.broadcast %jit3A_213 : f32 to vector<128x1xf32>
    %select_n3A_216 = arith.select %eq3A_210, %broadcast_in_dim3A_214, %broadcast_in_dim3A_215 : vector<128x1xi1>, vector<128x1xf32>
    %add3A_217 = arith.addf %broadcast_in_dim3A_205, %select_n3A_216 : vector<128x1xf32>
    %eq3A_218 = arith.constant 0 : i32
    %eq3A_219 = vector.broadcast %eq3A_218 : i32 to vector<1x2048xi32>
    %eq3A_220 = arith.cmpi eq, %get3A_7, %eq3A_219 : vector<1x2048xi32>
    %slice3A_221 = vector.extract_strided_slice %get3A_1 {offsets = [0, 2], sizes = [1, 1], strides = [1, 1]} : vector<4x4xf32> to vector<1x1xf32>
    %squeeze3A_222 = vector.extract %slice3A_221[0, 0] : f32 from vector<1x1xf32>
    %jit3A_223 = arith.constant 0.000000e+00 : f32
    %broadcast_in_dim3A_224 = vector.broadcast %squeeze3A_222 : f32 to vector<1x2048xf32>
    %broadcast_in_dim3A_225 = vector.broadcast %jit3A_223 : f32 to vector<1x2048xf32>
    %select_n3A_226 = arith.select %eq3A_220, %broadcast_in_dim3A_224, %broadcast_in_dim3A_225 : vector<1x2048xi1>, vector<1x2048xf32>
    %add3A_227 = arith.addf %broadcast_in_dim3A_207, %select_n3A_226 : vector<1x2048xf32>
    %eq3A_228 = arith.constant 1 : i32
    %eq3A_229 = vector.broadcast %eq3A_228 : i32 to vector<128x1xi32>
    %eq3A_230 = arith.cmpi eq, %get3A_4, %eq3A_229 : vector<128x1xi32>
    %slice3A_231 = vector.extract_strided_slice %get3A_1 {offsets = [1, 2], sizes = [1, 1], strides = [1, 1]} : vector<4x4xf32> to vector<1x1xf32>
    %squeeze3A_232 = vector.extract %slice3A_231[0, 0] : f32 from vector<1x1xf32>
    %jit3A_233 = arith.constant 0.000000e+00 : f32
    %broadcast_in_dim3A_234 = vector.broadcast %squeeze3A_232 : f32 to vector<128x1xf32>
    %broadcast_in_dim3A_235 = vector.broadcast %jit3A_233 : f32 to vector<128x1xf32>
    %select_n3A_236 = arith.select %eq3A_230, %broadcast_in_dim3A_234, %broadcast_in_dim3A_235 : vector<128x1xi1>, vector<128x1xf32>
    %add3A_237 = arith.addf %add3A_217, %select_n3A_236 : vector<128x1xf32>
    %eq3A_238 = arith.constant 1 : i32
    %eq3A_239 = vector.broadcast %eq3A_238 : i32 to vector<1x2048xi32>
    %eq3A_240 = arith.cmpi eq, %get3A_7, %eq3A_239 : vector<1x2048xi32>
    %slice3A_241 = vector.extract_strided_slice %get3A_1 {offsets = [1, 2], sizes = [1, 1], strides = [1, 1]} : vector<4x4xf32> to vector<1x1xf32>
    %squeeze3A_242 = vector.extract %slice3A_241[0, 0] : f32 from vector<1x1xf32>
    %jit3A_243 = arith.constant 0.000000e+00 : f32
    %broadcast_in_dim3A_244 = vector.broadcast %squeeze3A_242 : f32 to vector<1x2048xf32>
    %broadcast_in_dim3A_245 = vector.broadcast %jit3A_243 : f32 to vector<1x2048xf32>
    %select_n3A_246 = arith.select %eq3A_240, %broadcast_in_dim3A_244, %broadcast_in_dim3A_245 : vector<1x2048xi1>, vector<1x2048xf32>
    %add3A_247 = arith.addf %add3A_227, %select_n3A_246 : vector<1x2048xf32>
    %eq3A_248 = arith.constant 2 : i32
    %eq3A_249 = vector.broadcast %eq3A_248 : i32 to vector<128x1xi32>
    %eq3A_250 = arith.cmpi eq, %get3A_4, %eq3A_249 : vector<128x1xi32>
    %slice3A_251 = vector.extract_strided_slice %get3A_1 {offsets = [2, 2], sizes = [1, 1], strides = [1, 1]} : vector<4x4xf32> to vector<1x1xf32>
    %squeeze3A_252 = vector.extract %slice3A_251[0, 0] : f32 from vector<1x1xf32>
    %jit3A_253 = arith.constant 0.000000e+00 : f32
    %broadcast_in_dim3A_254 = vector.broadcast %squeeze3A_252 : f32 to vector<128x1xf32>
    %broadcast_in_dim3A_255 = vector.broadcast %jit3A_253 : f32 to vector<128x1xf32>
    %select_n3A_256 = arith.select %eq3A_250, %broadcast_in_dim3A_254, %broadcast_in_dim3A_255 : vector<128x1xi1>, vector<128x1xf32>
    %add3A_257 = arith.addf %add3A_237, %select_n3A_256 : vector<128x1xf32>
    %eq3A_258 = arith.constant 2 : i32
    %eq3A_259 = vector.broadcast %eq3A_258 : i32 to vector<1x2048xi32>
    %eq3A_260 = arith.cmpi eq, %get3A_7, %eq3A_259 : vector<1x2048xi32>
    %slice3A_261 = vector.extract_strided_slice %get3A_1 {offsets = [2, 2], sizes = [1, 1], strides = [1, 1]} : vector<4x4xf32> to vector<1x1xf32>
    %squeeze3A_262 = vector.extract %slice3A_261[0, 0] : f32 from vector<1x1xf32>
    %jit3A_263 = arith.constant 0.000000e+00 : f32
    %broadcast_in_dim3A_264 = vector.broadcast %squeeze3A_262 : f32 to vector<1x2048xf32>
    %broadcast_in_dim3A_265 = vector.broadcast %jit3A_263 : f32 to vector<1x2048xf32>
    %select_n3A_266 = arith.select %eq3A_260, %broadcast_in_dim3A_264, %broadcast_in_dim3A_265 : vector<1x2048xi1>, vector<1x2048xf32>
    %add3A_267 = arith.addf %add3A_247, %select_n3A_266 : vector<1x2048xf32>
    %eq3A_268 = arith.constant 3 : i32
    %eq3A_269 = vector.broadcast %eq3A_268 : i32 to vector<128x1xi32>
    %eq3A_270 = arith.cmpi eq, %get3A_4, %eq3A_269 : vector<128x1xi32>
    %slice3A_271 = vector.extract_strided_slice %get3A_1 {offsets = [3, 2], sizes = [1, 1], strides = [1, 1]} : vector<4x4xf32> to vector<1x1xf32>
    %squeeze3A_272 = vector.extract %slice3A_271[0, 0] : f32 from vector<1x1xf32>
    %jit3A_273 = arith.constant 0.000000e+00 : f32
    %broadcast_in_dim3A_274 = vector.broadcast %squeeze3A_272 : f32 to vector<128x1xf32>
    %broadcast_in_dim3A_275 = vector.broadcast %jit3A_273 : f32 to vector<128x1xf32>
    %select_n3A_276 = arith.select %eq3A_270, %broadcast_in_dim3A_274, %broadcast_in_dim3A_275 : vector<128x1xi1>, vector<128x1xf32>
    %add3A_277 = arith.addf %add3A_257, %select_n3A_276 : vector<128x1xf32>
    %eq3A_278 = arith.constant 3 : i32
    %eq3A_279 = vector.broadcast %eq3A_278 : i32 to vector<1x2048xi32>
    %eq3A_280 = arith.cmpi eq, %get3A_7, %eq3A_279 : vector<1x2048xi32>
    %slice3A_281 = vector.extract_strided_slice %get3A_1 {offsets = [3, 2], sizes = [1, 1], strides = [1, 1]} : vector<4x4xf32> to vector<1x1xf32>
    %squeeze3A_282 = vector.extract %slice3A_281[0, 0] : f32 from vector<1x1xf32>
    %jit3A_283 = arith.constant 0.000000e+00 : f32
    %broadcast_in_dim3A_284 = vector.broadcast %squeeze3A_282 : f32 to vector<1x2048xf32>
    %broadcast_in_dim3A_285 = vector.broadcast %jit3A_283 : f32 to vector<1x2048xf32>
    %select_n3A_286 = arith.select %eq3A_280, %broadcast_in_dim3A_284, %broadcast_in_dim3A_285 : vector<1x2048xi1>, vector<1x2048xf32>
    %add3A_287 = arith.addf %add3A_267, %select_n3A_286 : vector<1x2048xf32>
    %broadcast_in_dim3A_288 = vector.shape_cast %add3A_277 : vector<128x1xf32> to vector<128x1xf32>
    %broadcast_in_dim3A_289 = vector.broadcast %broadcast_in_dim3A_288 : vector<128x1xf32> to vector<128x2048xf32>
    %swap3A_290 = arith.constant 0 : index
    %swap3A_291 = arith.constant 2 : index
    %swap3A_292 = arith.constant 0 : index
    %swap3A_293 = arith.constant 0 : index
    %swap3A_294 = vector.load %arg4[%swap3A_290, %swap3A_291, %swap3A_292, %swap3A_293] : memref<1x8x128x2048xf32, #tpu.memory_space<vmem>>, vector<1x1x128x2048xf32>
    %swap3A_295 = vector.shape_cast %swap3A_294 : vector<1x1x128x2048xf32> to vector<128x2048xf32>
    %swap3A_296 = vector.shape_cast %broadcast_in_dim3A_289 : vector<128x2048xf32> to vector<1x1x128x2048xf32>
    tpu.vector_store %arg4[%swap3A_290, %swap3A_291, %swap3A_292, %swap3A_293], %swap3A_296 {strides = array<i32>} : memref<1x8x128x2048xf32, #tpu.memory_space<vmem>>, vector<1x1x128x2048xf32>,
    %broadcast_in_dim3A_297 = vector.shape_cast %add3A_287 : vector<1x2048xf32> to vector<1x2048xf32>
    %broadcast_in_dim3A_298 = vector.broadcast %broadcast_in_dim3A_297 : vector<1x2048xf32> to vector<128x2048xf32>
    %swap3A_299 = arith.constant 0 : index
    %swap3A_300 = arith.constant 6 : index
    %swap3A_301 = arith.constant 0 : index
    %swap3A_302 = arith.constant 0 : index
    %swap3A_303 = vector.load %arg4[%swap3A_299, %swap3A_300, %swap3A_301, %swap3A_302] : memref<1x8x128x2048xf32, #tpu.memory_space<vmem>>, vector<1x1x128x2048xf32>
    %swap3A_304 = vector.shape_cast %swap3A_303 : vector<1x1x128x2048xf32> to vector<128x2048xf32>
    %swap3A_305 = vector.shape_cast %broadcast_in_dim3A_298 : vector<128x2048xf32> to vector<1x1x128x2048xf32>
    tpu.vector_store %arg4[%swap3A_299, %swap3A_300, %swap3A_301, %swap3A_302], %swap3A_305 {strides = array<i32>} : memref<1x8x128x2048xf32, #tpu.memory_space<vmem>>, vector<1x1x128x2048xf32>,
    %broadcast_in_dim3A_306 = arith.constant 0.000000e+00 : f32
    %broadcast_in_dim3A_307 = vector.broadcast %broadcast_in_dim3A_306 : f32 to vector<128x1xf32>
    %broadcast_in_dim3A_308 = arith.constant 0.000000e+00 : f32
    %broadcast_in_dim3A_309 = vector.broadcast %broadcast_in_dim3A_308 : f32 to vector<1x2048xf32>
    %eq3A_310 = arith.constant 0 : i32
    %eq3A_311 = vector.broadcast %eq3A_310 : i32 to vector<128x1xi32>
    %eq3A_312 = arith.cmpi eq, %get3A_4, %eq3A_311 : vector<128x1xi32>
    %slice3A_313 = vector.extract_strided_slice %get3A_1 {offsets = [0, 3], sizes = [1, 1], strides = [1, 1]} : vector<4x4xf32> to vector<1x1xf32>
    %squeeze3A_314 = vector.extract %slice3A_313[0, 0] : f32 from vector<1x1xf32>
    %jit3A_315 = arith.constant 0.000000e+00 : f32
    %broadcast_in_dim3A_316 = vector.broadcast %squeeze3A_314 : f32 to vector<128x1xf32>
    %broadcast_in_dim3A_317 = vector.broadcast %jit3A_315 : f32 to vector<128x1xf32>
    %select_n3A_318 = arith.select %eq3A_312, %broadcast_in_dim3A_316, %broadcast_in_dim3A_317 : vector<128x1xi1>, vector<128x1xf32>
    %add3A_319 = arith.addf %broadcast_in_dim3A_307, %select_n3A_318 : vector<128x1xf32>
    %eq3A_320 = arith.constant 0 : i32
    %eq3A_321 = vector.broadcast %eq3A_320 : i32 to vector<1x2048xi32>
    %eq3A_322 = arith.cmpi eq, %get3A_7, %eq3A_321 : vector<1x2048xi32>
    %slice3A_323 = vector.extract_strided_slice %get3A_1 {offsets = [0, 3], sizes = [1, 1], strides = [1, 1]} : vector<4x4xf32> to vector<1x1xf32>
    %squeeze3A_324 = vector.extract %slice3A_323[0, 0] : f32 from vector<1x1xf32>
    %jit3A_325 = arith.constant 0.000000e+00 : f32
    %broadcast_in_dim3A_326 = vector.broadcast %squeeze3A_324 : f32 to vector<1x2048xf32>
    %broadcast_in_dim3A_327 = vector.broadcast %jit3A_325 : f32 to vector<1x2048xf32>
    %select_n3A_328 = arith.select %eq3A_322, %broadcast_in_dim3A_326, %broadcast_in_dim3A_327 : vector<1x2048xi1>, vector<1x2048xf32>
    %add3A_329 = arith.addf %broadcast_in_dim3A_309, %select_n3A_328 : vector<1x2048xf32>
    %eq3A_330 = arith.constant 1 : i32
    %eq3A_331 = vector.broadcast %eq3A_330 : i32 to vector<128x1xi32>
    %eq3A_332 = arith.cmpi eq, %get3A_4, %eq3A_331 : vector<128x1xi32>
    %slice3A_333 = vector.extract_strided_slice %get3A_1 {offsets = [1, 3], sizes = [1, 1], strides = [1, 1]} : vector<4x4xf32> to vector<1x1xf32>
    %squeeze3A_334 = vector.extract %slice3A_333[0, 0] : f32 from vector<1x1xf32>
    %jit3A_335 = arith.constant 0.000000e+00 : f32
    %broadcast_in_dim3A_336 = vector.broadcast %squeeze3A_334 : f32 to vector<128x1xf32>
    %broadcast_in_dim3A_337 = vector.broadcast %jit3A_335 : f32 to vector<128x1xf32>
    %select_n3A_338 = arith.select %eq3A_332, %broadcast_in_dim3A_336, %broadcast_in_dim3A_337 : vector<128x1xi1>, vector<128x1xf32>
    %add3A_339 = arith.addf %add3A_319, %select_n3A_338 : vector<128x1xf32>
    %eq3A_340 = arith.constant 1 : i32
    %eq3A_341 = vector.broadcast %eq3A_340 : i32 to vector<1x2048xi32>
    %eq3A_342 = arith.cmpi eq, %get3A_7, %eq3A_341 : vector<1x2048xi32>
    %slice3A_343 = vector.extract_strided_slice %get3A_1 {offsets = [1, 3], sizes = [1, 1], strides = [1, 1]} : vector<4x4xf32> to vector<1x1xf32>
    %squeeze3A_344 = vector.extract %slice3A_343[0, 0] : f32 from vector<1x1xf32>
    %jit3A_345 = arith.constant 0.000000e+00 : f32
    %broadcast_in_dim3A_346 = vector.broadcast %squeeze3A_344 : f32 to vector<1x2048xf32>
    %broadcast_in_dim3A_347 = vector.broadcast %jit3A_345 : f32 to vector<1x2048xf32>
    %select_n3A_348 = arith.select %eq3A_342, %broadcast_in_dim3A_346, %broadcast_in_dim3A_347 : vector<1x2048xi1>, vector<1x2048xf32>
    %add3A_349 = arith.addf %add3A_329, %select_n3A_348 : vector<1x2048xf32>
    %eq3A_350 = arith.constant 2 : i32
    %eq3A_351 = vector.broadcast %eq3A_350 : i32 to vector<128x1xi32>
    %eq3A_352 = arith.cmpi eq, %get3A_4, %eq3A_351 : vector<128x1xi32>
    %slice3A_353 = vector.extract_strided_slice %get3A_1 {offsets = [2, 3], sizes = [1, 1], strides = [1, 1]} : vector<4x4xf32> to vector<1x1xf32>
    %squeeze3A_354 = vector.extract %slice3A_353[0, 0] : f32 from vector<1x1xf32>
    %jit3A_355 = arith.constant 0.000000e+00 : f32
    %broadcast_in_dim3A_356 = vector.broadcast %squeeze3A_354 : f32 to vector<128x1xf32>
    %broadcast_in_dim3A_357 = vector.broadcast %jit3A_355 : f32 to vector<128x1xf32>
    %select_n3A_358 = arith.select %eq3A_352, %broadcast_in_dim3A_356, %broadcast_in_dim3A_357 : vector<128x1xi1>, vector<128x1xf32>
    %add3A_359 = arith.addf %add3A_339, %select_n3A_358 : vector<128x1xf32>
    %eq3A_360 = arith.constant 2 : i32
    %eq3A_361 = vector.broadcast %eq3A_360 : i32 to vector<1x2048xi32>
    %eq3A_362 = arith.cmpi eq, %get3A_7, %eq3A_361 : vector<1x2048xi32>
    %slice3A_363 = vector.extract_strided_slice %get3A_1 {offsets = [2, 3], sizes = [1, 1], strides = [1, 1]} : vector<4x4xf32> to vector<1x1xf32>
    %squeeze3A_364 = vector.extract %slice3A_363[0, 0] : f32 from vector<1x1xf32>
    %jit3A_365 = arith.constant 0.000000e+00 : f32
    %broadcast_in_dim3A_366 = vector.broadcast %squeeze3A_364 : f32 to vector<1x2048xf32>
    %broadcast_in_dim3A_367 = vector.broadcast %jit3A_365 : f32 to vector<1x2048xf32>
    %select_n3A_368 = arith.select %eq3A_362, %broadcast_in_dim3A_366, %broadcast_in_dim3A_367 : vector<1x2048xi1>, vector<1x2048xf32>
    %add3A_369 = arith.addf %add3A_349, %select_n3A_368 : vector<1x2048xf32>
    %eq3A_370 = arith.constant 3 : i32
    %eq3A_371 = vector.broadcast %eq3A_370 : i32 to vector<128x1xi32>
    %eq3A_372 = arith.cmpi eq, %get3A_4, %eq3A_371 : vector<128x1xi32>
    %slice3A_373 = vector.extract_strided_slice %get3A_1 {offsets = [3, 3], sizes = [1, 1], strides = [1, 1]} : vector<4x4xf32> to vector<1x1xf32>
    %squeeze3A_374 = vector.extract %slice3A_373[0, 0] : f32 from vector<1x1xf32>
    %jit3A_375 = arith.constant 0.000000e+00 : f32
    %broadcast_in_dim3A_376 = vector.broadcast %squeeze3A_374 : f32 to vector<128x1xf32>
    %broadcast_in_dim3A_377 = vector.broadcast %jit3A_375 : f32 to vector<128x1xf32>
    %select_n3A_378 = arith.select %eq3A_372, %broadcast_in_dim3A_376, %broadcast_in_dim3A_377 : vector<128x1xi1>, vector<128x1xf32>
    %add3A_379 = arith.addf %add3A_359, %select_n3A_378 : vector<128x1xf32>
    %eq3A_380 = arith.constant 3 : i32
    %eq3A_381 = vector.broadcast %eq3A_380 : i32 to vector<1x2048xi32>
    %eq3A_382 = arith.cmpi eq, %get3A_7, %eq3A_381 : vector<1x2048xi32>
    %slice3A_383 = vector.extract_strided_slice %get3A_1 {offsets = [3, 3], sizes = [1, 1], strides = [1, 1]} : vector<4x4xf32> to vector<1x1xf32>
    %squeeze3A_384 = vector.extract %slice3A_383[0, 0] : f32 from vector<1x1xf32>
    %jit3A_385 = arith.constant 0.000000e+00 : f32
    %broadcast_in_dim3A_386 = vector.broadcast %squeeze3A_384 : f32 to vector<1x2048xf32>
    %broadcast_in_dim3A_387 = vector.broadcast %jit3A_385 : f32 to vector<1x2048xf32>
    %select_n3A_388 = arith.select %eq3A_382, %broadcast_in_dim3A_386, %broadcast_in_dim3A_387 : vector<1x2048xi1>, vector<1x2048xf32>
    %add3A_389 = arith.addf %add3A_369, %select_n3A_388 : vector<1x2048xf32>
    %broadcast_in_dim3A_390 = vector.shape_cast %add3A_379 : vector<128x1xf32> to vector<128x1xf32>
    %broadcast_in_dim3A_391 = vector.broadcast %broadcast_in_dim3A_390 : vector<128x1xf32> to vector<128x2048xf32>
    %swap3A_392 = arith.constant 0 : index
    %swap3A_393 = arith.constant 3 : index
    %swap3A_394 = arith.constant 0 : index
    %swap3A_395 = arith.constant 0 : index
    %swap3A_396 = vector.load %arg4[%swap3A_392, %swap3A_393, %swap3A_394, %swap3A_395] : memref<1x8x128x2048xf32, #tpu.memory_space<vmem>>, vector<1x1x128x2048xf32>
    %swap3A_397 = vector.shape_cast %swap3A_396 : vector<1x1x128x2048xf32> to vector<128x2048xf32>
    %swap3A_398 = vector.shape_cast %broadcast_in_dim3A_391 : vector<128x2048xf32> to vector<1x1x128x2048xf32>
    tpu.vector_store %arg4[%swap3A_392, %swap3A_393, %swap3A_394, %swap3A_395], %swap3A_398 {strides = array<i32>} : memref<1x8x128x2048xf32, #tpu.memory_space<vmem>>, vector<1x1x128x2048xf32>,
    %broadcast_in_dim3A_399 = vector.shape_cast %add3A_389 : vector<1x2048xf32> to vector<1x2048xf32>
    %broadcast_in_dim3A_400 = vector.broadcast %broadcast_in_dim3A_399 : vector<1x2048xf32> to vector<128x2048xf32>
    %swap3A_401 = arith.constant 0 : index
    %swap3A_402 = arith.constant 7 : index
    %swap3A_403 = arith.constant 0 : index
    %swap3A_404 = arith.constant 0 : index
    %swap3A_405 = vector.load %arg4[%swap3A_401, %swap3A_402, %swap3A_403, %swap3A_404] : memref<1x8x128x2048xf32, #tpu.memory_space<vmem>>, vector<1x1x128x2048xf32>
    %swap3A_406 = vector.shape_cast %swap3A_405 : vector<1x1x128x2048xf32> to vector<128x2048xf32>
    %swap3A_407 = vector.shape_cast %broadcast_in_dim3A_400 : vector<128x2048xf32> to vector<1x1x128x2048xf32>
    tpu.vector_store %arg4[%swap3A_401, %swap3A_402, %swap3A_403, %swap3A_404], %swap3A_407 {strides = array<i32>} : memref<1x8x128x2048xf32, #tpu.memory_space<vmem>>, vector<1x1x128x2048xf32>,
    return
  }
  func.func @transform_0(%arg0: i32) -> (i32, i32) {
    %c0_i32 = arith.constant 0 : i32
    %c0_i32_0 = arith.constant 0 : i32
    return %arg0, %c0_i32 : i32, i32
  }
  func.func @transform_1(%arg0: i32) -> (i32, i32) {
    %c0_i32 = arith.constant 0 : i32
    %c0_i32_0 = arith.constant 0 : i32
    %c0_i32_1 = arith.constant 0 : i32
    return %c0_i32, %c0_i32_0 : i32, i32
  }
  func.func @transform_2(%arg0: i32) -> (i32, i32) {
    %c0_i32 = arith.constant 0 : i32
    %c0_i32_0 = arith.constant 0 : i32
    %c0_i32_1 = arith.constant 0 : i32
    return %c0_i32, %c0_i32_0 : i32, i32
  }
  func.func @transform_3(%arg0: i32) -> (i32, i32, i32, i32) {
    %c0_i32 = arith.constant 0 : i32
    %c0_i32_0 = arith.constant 0 : i32
    %c0_i32_1 = arith.constant 0 : i32
    %c0_i32_2 = arith.constant 0 : i32
    return %c0_i32, %c0_i32_0, %arg0, %c0_i32_1 : i32, i32, i32, i32
  }
}

</mosaic_0001>

<sc_bundles>
// kernel: kernel.4.cloned.1.call-start
scs
__scs_entry_jumppad:
0x0: {  	(pc) =	sbr.rel $0x88, $3  }
0x1: {  	(tag) =	ssettag $0x0;
	lr =	simm.s32 $0x1  }
0x2: {  	[smem:$0x3F9E] =	sst lr;
	_ =	strace $0xD0000000  }
0x3: {  	_ = 	snop  }
0x4: {  	_ = 	snop  }
0x5: {  	_ = 	snop  }
0x6: {  	_ = 	snop  }
0x7: {  	_ = 	snop  }
__scs_overlays_trampoline_lowered:
0x8: {  	[smem:$0x3FAD] =	sst s0  }
0x9: {  	[smem:$0x3FAE] =	sst s1  }
0xa: {  	[smem:$0x3FAF] =	sst s2  }
0xb: {  	[smem:$0x3FB0] =	sst s3  }
0xc: {  	[smem:$0x3FB1] =	sst s4  }
0xd: {  	[smem:$0x3FB2] =	sst s5  }
0xe: {  	[smem:$0x3FB3] =	sst s6  }
0xf: {  	[smem:$0x3FB4] =	sst s7  }
0x10: {  	[smem:$0x3FB5] =	sst s8  }
0x11: {  	[smem:$0x3FB6] =	sst s9;
	s0 =	simm.s32 @!p0 $0x0  }
0x12: {  	s1 =	sld [smem:$0x3F9C];
	s0 =	simm.s32 @p0 $0x1  }
0x13: {  	[smem:$0x3FB7] =	sst s0;
	s0 =	simm.s32 @!p1 $0x0  }
0x14: {  	s2 =	sld [smem:$0x3F9B];
	s0 =	simm.s32 @p1 $0x1  }
0x15: {  	[smem:$0x3FB8] =	sst s0;
	s0 =	simm.s32 @!p2 $0x0  }
0x16: {  	s3 =	sld [smem:$0x3FDB];
	s0 =	simm.s32 @p2 $0x1  }
0x17: {  	s4 =	simm.s32 $0x1BF5;
	[smem:$0x3FBA] =	sst s0  }
0x18: {  	s0 =	sld [smem:$0x3F9D];
	_ =	swait.ge [sflag:s4], $0x0  }
0x19: {  	s7 =	sld [smem:$0x3F9E]  }
0x1a: {  	s8 =	sadd.s32 $0xFFFFE003, lr  }
0x1b: {  	s9 =	sadd.s32 $0xFFFFFEF7, lr;
	s5 =	simm.s32 $0xFFFFFFFF;
	p2 =	slt.u32 s8, $0xFFFFF086  }
0x1c: {  	p1 =	slt.u32 s9, $0xF7A;
	s5 =	simm.s32 @!p2 $0x0  }
0x1d: {  	s5 =	simm.s32 @p1 $0x1;
	p0 =	seq.s32 s7, s2  }
0x1e: {  	s7 =	smul.u32 @!p0 $0xF7A, s2;
	p2 =	seq.s32 @!p0 s5, $0x0  }
0x1f: {  	s9 =	smul.u32 $0xF7A, s1;
	s8 =	simm.s32 @!p0 $0x1BF5;
	p2 =	por !p2, p0  }
0x20: {  	[sflag:s8] =	ssyncset.s32 @!p0 $0xFFFFF086;
	s6 =	sadd.s32 @!p0 s3, s7;
	s7 =	simm.s32 @!p0 $0x108  }
0x21: {  	s3 =	sadd.s32 s3, s9;
	s6 =	sadd.s32 @!p0 $0x88, s6;
	s7 =	simm.s32 @p2 $0x1082  }
0x22: {  	[simem:s7], [sflag:s8] =	dma.local @!p0 [hbm:s6], $0xF7A  }
0x23: {  	s9 =	sor.u32 $0xD0000000, s2;
	s6 =	simm.s32 $0x108;
	_ =	swait.ge @!p0 [sflag:s8], $0x0  }
0x24: {  	s3 =	sadd.s32 $0x88, s3;
	s6 =	simm.s32 @!p1 $0x1082;
	[sflag:s4] =	ssyncset.s32 $0xFFFFF086  }
0x25: {  	[simem:s6], [sflag:s4] =	dma.local [hbm:s3], $0xF7A  }
0x26: {  	[smem:$0x3F9E] =	sst s1;
	(tag) =	ssettag s2;
	_ =	strace s9  }
0x27: {  	s1 =	sld [smem:$0x3FAE]  }
0x28: {  	s2 =	sld [smem:$0x3FAF]  }
0x29: {  	s4 =	sld [smem:$0x3FB1]  }
0x2a: {  	p0 =	seq.s32 s5, $0x0;
	s5 =	sld [smem:$0x3FB2]  }
0x2b: {  	s6 =	sld [smem:$0x3FB3]  }
0x2c: {  	s7 =	sld [smem:$0x3FB4]  }
0x2d: {  	s3 =	simm.s32 $0x108;
	s8 =	sld [smem:$0x3FB5]  }
0x2e: {  	s3 =	simm.s32 @!p0 $0x1082;
	s9 =	sld [smem:$0x3FB6]  }
0x2f: {  	lr =	sadd.s32 s0, s3;
	s0 =	sld [smem:$0x3FAD]  }
0x30: {  	s3 =	sld [smem:$0x3FB0]  }
0x31: {  	[smem:$0x3FB9] =	sst s10  }
0x32: {  	s10 =	sld [smem:$0x3FB7];
	_ =	sdelay $0x3  }
0x33: {  	p0 =	seq.s32 s10, $0x1;
	s10 =	sld [smem:$0x3FB9];
	_ =	sdelay $0x3  }
0x34: {  	[smem:$0x3FB9] =	sst s10  }
0x35: {  	s10 =	sld [smem:$0x3FB8];
	_ =	sdelay $0x3  }
0x36: {  	p1 =	seq.s32 s10, $0x1;
	s10 =	sld [smem:$0x3FB9];
	_ =	sdelay $0x3  }
0x37: {  	[smem:$0x3FB9] =	sst s10  }
0x38: {  	s10 =	sld [smem:$0x3FBA]  }
0x39: {  	_ = 	snop;
	(pc) =	sbr.ind lr, $3  }
0x3a: {  	_ = 	snop  }
0x3b: {  	_ = 	snop  }
0x3c: {  	p2 =	seq.s32 s10, $0x1;
	s10 =	sld [smem:$0x3FB9]  }
0x3d: {  	_ =	shalt  }
0x3e: {  	_ =	shalt  }
0x3f: {  	_ =	shalt  }
0x40: {  	_ =	shalt  }
0x41: {  	_ =	shalt  }
0x42: {  	_ =	shalt  }
0x43: {  	_ =	shalt  }
0x44: {  	_ =	shalt  }
0x45: {  	_ =	shalt  }
0x46: {  	_ =	shalt  }
0x47: {  	_ =	shalt  }
0x48: {  	_ =	shalt  }
0x49: {  	_ =	shalt  }
0x4a: {  	_ =	shalt  }
0x4b: {  	_ =	shalt  }
0x4c: {  	_ =	shalt  }
0x4d: {  	_ =	shalt  }
0x4e: {  	_ =	shalt  }
0x4f: {  	_ =	shalt  }
0x50: {  	_ =	shalt  }
0x51: {  	_ =	shalt  }
0x52: {  	_ =	shalt  }
0x53: {  	_ =	shalt  }
0x54: {  	_ =	shalt  }
0x55: {  	_ =	shalt  }
0x56: {  	_ =	shalt  }
0x57: {  	_ =	shalt  }
0x58: {  	_ =	shalt  }
0x59: {  	_ =	shalt  }
0x5a: {  	_ =	shalt  }
0x5b: {  	_ =	shalt  }
0x5c: {  	_ =	shalt  }
0x5d: {  	_ =	shalt  }
0x5e: {  	_ =	shalt  }
0x5f: {  	_ =	shalt  }
0x60: {  	_ =	shalt  }
0x61: {  	_ =	shalt  }
0x62: {  	_ =	shalt  }
0x63: {  	_ =	shalt  }
0x64: {  	_ =	shalt  }
0x65: {  	_ =	shalt  }
0x66: {  	_ =	shalt  }
0x67: {  	_ =	shalt  }
0x68: {  	_ =	shalt  }
0x69: {  	_ =	shalt  }
0x6a: {  	_ =	shalt  }
0x6b: {  	_ =	shalt  }
0x6c: {  	_ =	shalt  }
0x6d: {  	_ =	shalt  }
0x6e: {  	_ =	shalt  }
0x6f: {  	_ =	shalt  }
0x70: {  	_ =	shalt  }
0x71: {  	_ =	shalt  }
0x72: {  	_ =	shalt  }
0x73: {  	_ =	shalt  }
0x74: {  	_ =	shalt  }
0x75: {  	_ =	shalt  }
0x76: {  	_ =	shalt  }
0x77: {  	_ =	shalt  }
0x78: {  	_ =	shalt  }
0x79: {  	_ =	shalt  }
0x7a: {  	_ =	shalt  }
0x7b: {  	_ =	shalt  }
0x7c: {  	_ =	shalt  }
0x7d: {  	_ =	shalt  }
0x7e: {  	_ =	shalt  }
0x7f: {  	_ =	shalt  }
0x80: {  	_ =	shalt  }
0x81: {  	_ =	shalt  }
0x82: {  	_ =	shalt  }
0x83: {  	_ =	shalt  }
0x84: {  	_ =	shalt  }
0x85: {  	_ =	shalt  }
0x86: {  	_ =	shalt  }
0x87: {  	_ =	shalt  }
.Lfunc_end0:
.L_simem_size_0:
called_computation_lowered:
.L_overlay_start_0:
0x88: {  	s2 =	sld [smem:$0x3FD9]  }
0x89: {  	s3 =	sld [smem:$0x3FFE];
	_ =	sdelay $0x1  }
0x8a: {  	s1 =	srdreg.scid  }
0x8b: {  	s0 =	sand.u32 $0x1, s1  }
0x8c: {  	s15 =	sshll.u32 s0, $0xA;
	s2 =	sadd.s32 s3, s2  }
0x8d: {  	s2 =	sadd.s32 s2, s15  }
0x8e: {  	[smem:$0x3FC5] =	sst s2  }
0x8f: {  	_ = 	snop  }
0x90: {  	s2 =	sld [smem:$0x3FD0];
	_ =	sdelay $0x2  }
0x91: {  	s4 =	simm.s32 $0xA;
	s5 =	simm.s32 $0x10;
	s16 =	sld [smem:$0x3FC8]  }
0x92: {  	[smem:s5], [sflag:s4] =	dma.local [hbm:s2], $0x1  }
0x93: {  	_ =	swait.eq [sflag:s4], $0x1  }
0x94: {  	[sflag:s4] =	ssyncset.done $0x0  }
0x95: {  	[sflag:s4] =	ssyncadd.s32 $0xFFFFFFFF  }
0x96: {  	s17 =	sld [smem:$0x11];
	(tm) =	ssettm $0x1  }
0x97: {  	s18 =	sld [smem:$0x3FFB];
	_ =	sdelay $0x3  }
0x98: {  	_ =	strace s18  }
0x99: {  	s4 =	sld [smem:$0x3FFC];
	_ =	sdelay $0x3  }
0x9a: {  	_ =	strace s4  }
0x9b: {  	s4 =	sld [smem:$0x3FFD];
	_ =	sdelay $0x3  }
0x9c: {  	_ =	strace s4  }
0x9d: {  	_ =	strace $0x8FFFFFFF  }
0x9e: {  	s19 =	sld [smem:$0x3FDB];
	_ =	sdelay $0x1  }
0x9f: {  	s20 =	simm.s32 $_scs_section_size  }
0xa0: {  	s6 =	simm.s32 $_size__tile_overlayer_lowered;
	s7 =	simm.s32 $_tile_overlayer_lowered  }
0xa1: {  	s23 =	simm.s32 $0x1BFF;
	s22 =	sshll.u32 s7, $0x1;
	s4 =	sadd.s32 s20, s19  }
0xa2: {  	s8 =	simm.s32 $0x0;
	s21 =	sshll.u32 s6, $0x1;
	s6 =	sadd.s32 s22, s4  }
0xa3: {  	[timem:s8], [sflag:s23] =	dma.local [hbm:s6], s21  }
0xa4: {  	_ =	swait.ge [sflag:s23], s21  }
0xa5: {  	s5 =	ssub.s32 $0x0, s21;
	[sflag:s23] =	ssyncset.done $0x0  }
0xa6: {  	[sflag:s23] =	ssyncadd.s32 s5;
	_ =	sdelay $0x1  }
0xa7: {  	s24 =	simm.s32 $0x1B8B  }
0xa8: {  	_ =	swait.ge [sflag:s24], $0x1  }
0xa9: {  	[sflag:s24] =	ssyncset.done $0x0  }
0xaa: {  	s25 =	simm.s32 $0x1B8E;
	[sflag:s24] =	ssyncadd.s32 $0xFFFFFFFF  }
0xab: {  	s26 =	simm.s32 $execute0_lowered;
	[smem:$0x3FD2] =	sst s25  }
0xac: {  	s5 =	sshll.u32 s26, $0x1;
	_ =	strace $0x80000046;
	[dreg:$0x1] =	wrdreg $0xFFFFFFFF  }
0xad: {  	s28 =	simm.s32 $_size_execute0_lowered;
	s4 =	sadd.s32 s4, s5;
	[dreg:$0x0] =	wrdreg $0x0  }
0xae: {  	s5 =	sshll.u32 s28, $0x1;
	[dreg:$0x2] =	wrdreg s4  }
0xaf: {  	[dreg:$0x3] =	wrdreg s5  }
0xb0: {  	[dreg:$0x4] =	wrdreg $0xC0  }
0xb1: {  	_ =	task [dreg:s8], $0x5FFFF  }
0xb2: {  	[dreg:$0x1] =	wrdreg $0xFFFFFFFF  }
0xb3: {  	[dreg:$0x0] =	wrdreg $0x60  }
0xb4: {  	[dreg:$0x2] =	wrdreg s16  }
0xb5: {  	[dreg:$0x3] =	wrdreg s17  }
0xb6: {  	[dreg:$0x4] =	wrdreg $0x9  }
0xb7: {  	_ =	task.clear_ibuf [dreg:s8], $0x5FFFF;
	_ =	strace $0x90000046  }
0xb8: {  	s29 =	simm.s32 $0x9;
	_ =	strace $0x80000048  }
0xb9: {  	_ =	swait.ge [sflag:s29], $0x1  }
0xba: {  	[sflag:s29] =	ssyncadd.s32 $0xFFFFFFFF  }
0xbb: {  	_ =	strace $0x90000048  }
0xbc: {  	_ =	sfence  }
0xbd: {  	s30 =	sld [smem:$0x0];
	_ =	sdelay $0x2  }
0xbe: {  	s31 =	sshll.u32 s1, $0xD;
	s1 =	sshrl.u32 s1, $0x2  }
0xbf: {  	s3 =	sand.u32 $0x4000, s31;
	s1 =	sadd.s32 s1, s30  }
0xc0: {  	s0 =	sor.u32 s3, s0;
	s1 =	sshll.u32 s1, $0x11  }
0xc1: {  	s0 =	sor.u32 s1, s0  }
0xc2: {  	s0 =	sadd.s32 $0x8F2B, s0  }
0xc3: {  	[sflag:s0] =	ssyncadd.remote.s32 $0x1  }
0xc4: {  	_ =	sfence.sel $0xFFFF  }
0xc5: {  	[dreg:$0x0] =	wrdreg $0xFFFFFFFF;
	(pc) =	sbr.abs _section_cstart, $3  }
0xc6: {  	[dreg:$0x1] =	wrdreg $0xFFFFFFFF  }
0xc7: {  	_ =	task.clear_ibuf [dreg:s8], $0x2FFFF;
	_ =	strace $0x9FFFFFFF  }
0xc8: {  	(tm) =	ssettm $0x7FFFFFFF  }
0xc9: {  	_ =	shalt  }
tec
execute0_lowered:
.L_overlay_start_1:
0x0: {  	(tag) =	ssettag $0x1  }
0x1: {  	v0 =	vimm.s32 $0x4380;
	vm0 =	vcmask $0x300  }
0x2: {  	vm14 =	vcmask $0x704;
	v0 =	vsel vm0, $0x0, v0  }
0x3: {  	vm15 =	vcmask $0xB08;
	v0 =	vsel vm14, $0x80, v0  }
0x4: {  	vm4 =	vcmask $0xF0C;
	v0 =	vsel vm15, $0x100, v0  }
0x5: {  	vm5 =	vcmask $0x1310;
	v0 =	vsel vm4, $0x180, v0  }
0x6: {  	s4 =	rddreg [dreg:$0x0];
	vm6 =	vcmask $0x1714;
	v0 =	vsel vm5, $0x200, v0  }
0x7: {  	s3 =	rddreg [dreg:$0x1];
	s2 =	srdreg.scid;
	vm7 =	vcmask $0x1B18;
	v0 =	vsel vm6, $0x280, v0  }
0x8: {  	s0 =	rddreg [dreg:$0x2];
	s1 =	stileid.u32;
	vm8 =	vcmask $0x1F1C;
	v0 =	vsel vm7, $0x300, v0  }
0x9: {  	vm9 =	vcmask $0x2320;
	s9 =	simm.s32 $0x3;
	s10 =	simm.s32 $0x80;
	s11 =	simm.s32 $0x8080;
	v0 =	vsel vm8, $0x380, v0  }
0xa: {  	vm10 =	vcmask $0x2724;
	s12 =	simm.s32 $0x1;
	s13 =	simm.s32 $0x2;
	s14 =	simm.s32 $0x0;
	v0 =	vsel vm9, $0x4000, v0  }
0xb: {  	vm11 =	vcmask $0x2B28;
	s5 =	sand.u32 $0x1, s2;
	s2 =	simm.s32 $0x0;
	s6 =	sshll.u32 s1, $0x7;
	v0 =	vsel vm10, $0x4080, v0  }
0xc: {  	vm12 =	vcmask $0x2F2C;
	s7 =	sshll.u32 s5, $0x6;
	[smem:$0x7FF] =	sst s2;
	s5 =	ssub.s32 $0x2, s5;
	v0 =	vsel vm11, $0x4100, v0  }
0xd: {  	vm13 =	vcmask $0x3330;
	s6 =	sor.u32 s7, s6;
	_ =	strace $0x80000047;
	s8 =	sshrl.u32 s5, $0x1;
	v0 =	vsel vm12, $0x4180, v0  }
0xe: {  	vm14 =	vcmask $0x3734;
	s7 =	sshll.u32 s6, $0x8;
	s6 =	sshrl.u32 s6, $0x3;
	s8 =	ssub.s32 s5, s8;
	v0 =	vsel vm13, $0x4200, v0  }
0xf: {  	vm15 =	vcmask $0x3B38;
	s3 =	sadd.s32 s3, s7;
	s4 =	sadd.s32 s4, s6;
	s8 =	smax.u32 s8, $0x1;
	v1 =	vsel vm14, $0x4280, v0  }
0x10: {  	v2 =	vimm.f32 $1.000000000e+00;
	s5 =	sadd.s32 $0x1000, s3;
	s6 =	sadd.s32 $0x2000, s3;
	s7 =	sadd.s32 $0x3000, s3;
	v0 =	vimm.f32 $0.0e+00;
	v1 =	vsel vm15, $0x4300, v1  }
.LBB2_1:
0x11: {  	[tilespmem:s2], [sflag:$0x3] =	stream.linear.gather [hbm4b:s4+s2], $0x40, $0x38;
	[tilespmem:$0x10080] =	vst v63  }
0x12: {  	_ =	swait.ge [sflag:s9], $0x40  }
0x13: {  	s15 =	sand.u32 $0x70, s2;
	s16 =	sand.u32 $0x3C00, s2;
	[sflag:s9] =	ssyncset.done $0x0  }
0x14: {  	s15 =	sor.u32 s15, s16;
	[sflag:s9] =	ssyncadd.s32 $0xFFFFFFC0  }
0x15: {  	[tilespmem:s15+$0x8380] =	vst v0  }
0x16: {  	[tilespmem:s15+$0x300] =	vst v0  }
0x17: {  	[tilespmem:s15+$0x380] =	vst v0  }
0x18: {  	[tilespmem:s15+$0x8300] =	vst v0  }
0x19: {  	[tilespmem:s15+$0x8280] =	vst v0  }
0x1a: {  	[tilespmem:s15+$0x200] =	vst v0  }
0x1b: {  	[tilespmem:s15+$0x280] =	vst v0  }
0x1c: {  	[tilespmem:s15+$0x8200] =	vst v0  }
0x1d: {  	[tilespmem:s15+$0x180] =	vst v0  }
0x1e: {  	[tilespmem:s15+$0x8100] =	vst v0  }
0x1f: {  	s31 =	sand.u32 $0x7, s2;
	[tilespmem:s15+$0x100] =	vst v0  }
0x20: {  	s16 =	sshll.u32 s31, $0x4;
	[tilespmem:s15+$0x8080] =	vst v0  }
0x21: {  	s16 =	sadd.s32 $0x0, s16;
	[tilespmem:s15+$0x80] =	vst v0  }
0x22: {  	s17 =	sor.u32 $0x380, s16;
	[tilespmem:s15+$0x8180] =	vst v0  }
0x23: {  	[tilespmem:s17+$0x80] =	vst v0  }
0x24: {  	[tilespmem:s17+$0x8080] =	vst v0  }
0x25: {  	[tilespmem:s15+$0xC380] =	vst v0  }
0x26: {  	[tilespmem:s15+$0x4380] =	vst v0  }
0x27: {  	[tilespmem:s15+$0x4300] =	vst v0  }
0x28: {  	[tilespmem:s15+$0xC300] =	vst v0  }
0x29: {  	[tilespmem:s15+$0x4280] =	vst v0  }
0x2a: {  	[tilespmem:s15+$0xC280] =	vst v0  }
0x2b: {  	[tilespmem:s15+$0xC200] =	vst v0  }
0x2c: {  	[tilespmem:s15+$0x4200] =	vst v0  }
0x2d: {  	[tilespmem:s15+$0xC180] =	vst v0  }
0x2e: {  	[tilespmem:s15+$0xC100] =	vst v0  }
0x2f: {  	[tilespmem:s15+$0xC080] =	vst v0  }
0x30: {  	[tilespmem:s15+$0x4100] =	vst v0  }
0x31: {  	s20 =	simm.s32 $0x10;
	[tilespmem:s15+$0x4180] =	vst v0  }
0x32: {  	s19 =	sor.u32 $0x4380, s16;
	s16 =	simm.s32 $0x1;
	[tilespmem:s15+$0x4080] =	vst v0;
	s15 =	simm.s32 $0x80  }
.LBB2_2:
0x33: {  	s17 =	smov.u32 s20  }
0x34: {  	s18 =	sand.u32 $0x70, s20;
	s21 =	sand.u32 $0x3C00, s15;
	[tilespmem:s19+$0x80] =	vst v0;
	s17 =	sadd.s32 $0x10, s20  }
0x35: {  	p0 =	sne.s32 s20, $0x7F0;
	s18 =	sor.u32 s18, s21;
	[tilespmem:s19+$0x8080] =	vst v0  }
0x36: {  	[tilespmem:s18+$0x8380] =	vst v0  }
0x37: {  	[tilespmem:s18+$0x300] =	vst v0  }
0x38: {  	[tilespmem:s18+$0x380] =	vst v0  }
0x39: {  	[tilespmem:s18+$0x8300] =	vst v0  }
0x3a: {  	[tilespmem:s18+$0x8280] =	vst v0  }
0x3b: {  	[tilespmem:s18+$0x200] =	vst v0  }
0x3c: {  	[tilespmem:s18+$0x280] =	vst v0  }
0x3d: {  	[tilespmem:s18+$0x8200] =	vst v0  }
0x3e: {  	[tilespmem:s18+$0x180] =	vst v0  }
0x3f: {  	[tilespmem:s18+$0x8100] =	vst v0  }
0x40: {  	s19 =	sand.u32 $0x7, s16;
	[tilespmem:s18+$0x100] =	vst v0  }
0x41: {  	s19 =	sshll.u32 s19, $0x4;
	[tilespmem:s18+$0x8080] =	vst v0  }
0x42: {  	s19 =	sadd.s32 s19, s15;
	[tilespmem:s18+$0x80] =	vst v0  }
0x43: {  	s20 =	sor.u32 $0x380, s19;
	[tilespmem:s18+$0x8180] =	vst v0  }
0x44: {  	[tilespmem:s20+$0x80] =	vst v0  }
0x45: {  	[tilespmem:s20+$0x8080] =	vst v0  }
0x46: {  	[tilespmem:s18+$0xC380] =	vst v0  }
0x47: {  	[tilespmem:s18+$0x4380] =	vst v0  }
0x48: {  	[tilespmem:s18+$0x4300] =	vst v0  }
0x49: {  	[tilespmem:s18+$0xC300] =	vst v0  }
0x4a: {  	[tilespmem:s18+$0x4280] =	vst v0  }
0x4b: {  	[tilespmem:s18+$0xC280] =	vst v0  }
0x4c: {  	[tilespmem:s18+$0xC200] =	vst v0  }
0x4d: {  	[tilespmem:s18+$0x4200] =	vst v0  }
0x4e: {  	[tilespmem:s18+$0xC180] =	vst v0  }
.Ltmp0:
0x4f: {  	[tilespmem:s18+$0xC100] =	vst v0;
	(pc) =	sbr.rel @p0 .LBB2_2-.Ltmp0, $4  }
0x50: {  	[tilespmem:s18+$0xC080] =	vst v0  }
0x51: {  	[tilespmem:s18+$0x4100] =	vst v0  }
0x52: {  	s16 =	sadd.s32 $0x1, s16;
	[tilespmem:s18+$0x4180] =	vst v0  }
0x53: {  	s15 =	sadd.s32 $0x80, s15;
	s19 =	sor.u32 $0x4380, s19;
	s20 =	smov.u32 s17;
	[tilespmem:s18+$0x4080] =	vst v0  }
0x54: {  	[tilespmem:s19+$0x80] =	vst v0  }
0x55: {  	[tilespmem:s19+$0x8080] =	vst v0  }
0x56: {  	v3 =	vld [tilespmem:$0x0];
	_ =	sdelay $0x4  }
0x57: {  	v4 =	vshll.u32 v3, $0x3  }
0x58: {  	v3 =	vand.u32 $0x7F, v3;
	v4 =	vand.u32 $0xFFFFFC00, v4  }
0x59: {  	v3 =	vor.u32 v3, v4  }
0x5a: {  	v3 =	vadd.s32 v1, v3;
	_ =	sdelay $0x4  }
0x5b: {  	[tilespmem:v3+s10+$0x0] =	vst.idx.msk $0xffff, v2  }
0x5c: {  	[hbm4b:s3+s2] =	stream.linear.scatter [tilespmem:s10], [sflag:$0x1], $0x8000, $0x38;
	[tilespmem:$0x10080] =	vst v63  }
0x5d: {  	v61 =	vld [tilespmem:$0x10];
	_ =	sdelay $0x4  }
0x5e: {  	v5 =	vshll.u32 v61, $0x3  }
0x5f: {  	v4 =	vand.u32 $0x7F, v61;
	v5 =	vand.u32 $0xFFFFFC00, v5  }
0x60: {  	v4 =	vor.u32 v4, v5  }
0x61: {  	v4 =	vadd.s32 v1, v4;
	_ =	sdelay $0x4  }
0x62: {  	[tilespmem:v4+s11+$0x0] =	vst.idx.msk $0xffff, v2  }
0x63: {  	[hbm4b:s5+s2] =	stream.linear.scatter [tilespmem:s11], [sflag:$0x2], $0x8000, $0x38;
	[tilespmem:$0x10080] =	vst v63  }
0x64: {  	_ =	swait.ge [sflag:s12], $0x8000  }
0x65: {  	[sflag:s12] =	ssyncset.done $0x0  }
0x66: {  	[sflag:s12] =	ssyncadd.s32 $0xFFFF8000  }
0x67: {  	[tilespmem:v3+s10+$0x0] =	vst.idx.msk $0xffff, v0  }
0x68: {  	v3 =	vld [tilespmem:$0x20];
	_ =	sdelay $0x4  }
0x69: {  	v62 =	vshll.u32 v3, $0x3  }
0x6a: {  	v3 =	vand.u32 $0x7F, v3;
	v5 =	vand.u32 $0xFFFFFC00, v62  }
0x6b: {  	v3 =	vor.u32 v3, v5  }
0x6c: {  	v3 =	vadd.s32 v1, v3;
	_ =	sdelay $0x4  }
0x6d: {  	[tilespmem:v3+s10+$0x0] =	vst.idx.msk $0xffff, v2  }
0x6e: {  	[hbm4b:s6+s2] =	stream.linear.scatter [tilespmem:s10], [sflag:$0x1], $0x8000, $0x38;
	[tilespmem:$0x10080] =	vst v63  }
0x6f: {  	_ =	swait.ge [sflag:s13], $0x8000  }
0x70: {  	[sflag:s13] =	ssyncset.done $0x0  }
0x71: {  	[sflag:s13] =	ssyncadd.s32 $0xFFFF8000  }
0x72: {  	[tilespmem:v4+s11+$0x0] =	vst.idx.msk $0xffff, v0  }
0x73: {  	v3 =	vld [tilespmem:$0x30];
	_ =	sdelay $0x4  }
0x74: {  	v63 =	vshll.u32 v3, $0x3  }
0x75: {  	v3 =	vand.u32 $0x7F, v3;
	v4 =	vand.u32 $0xFFFFFC00, v63  }
0x76: {  	v3 =	vor.u32 v3, v4  }
0x77: {  	v3 =	vadd.s32 v1, v3;
	_ =	sdelay $0x4  }
0x78: {  	s14 =	sadd.s32 $0x1, s14;
	[tilespmem:v3+s11+$0x0] =	vst.idx.msk $0xffff, v2  }
0x79: {  	[hbm4b:s7+s2] =	stream.linear.scatter [tilespmem:s11], [sflag:$0x2], $0x8000, $0x38;
	[tilespmem:$0x10080] =	vst v63  }
0x7a: {  	p0 =	sne.s32 s14, s8;
	_ =	swait.ge [sflag:s12], $0x8000  }
.Ltmp1:
0x7b: {  	[sflag:s12] =	ssyncset.done $0x0;
	(pc) =	sbr.rel @p0 .LBB2_1-.Ltmp1, $4  }
0x7c: {  	[sflag:s12] =	ssyncadd.s32 $0xFFFF8000  }
0x7d: {  	_ =	swait.ge [sflag:s13], $0x8000  }
0x7e: {  	[sflag:s13] =	ssyncset.done $0x0  }
0x7f: {  	[sflag:s13] =	ssyncadd.s32 $0xFFFF8000  }
0x80: {  	_ =	sfence.sel $0x180000  }
0x81: {  	[bflag:$0x0] =	sbarrier.arrive $0xFFFF  }
0x82: {  	p0 =	sne.s32 s1, $0x0;
	_ =	strace $0x90000047  }
0x83: {  	s0 =	sadd.s32 @!p0 $0x100000, s0;
	[bflag:$0x2] =	sbarrier.arrive $0xFFFF  }
0x84: {  	[sflag:s0] =	ssyncadd.tile.s32 @!p0 $0x1;
	_ =	shalt  }
.Lfunc_end2:
_tile_overlayer_lowered:
.L_overlay_start_2:
0x85: {  	(tag) =	ssettag $0x2  }
0x86: {  	s0 =	rddreg [dreg:$0x0];
	s2 =	stileid.u32  }
0x87: {  	s1 =	rddreg [dreg:$0x1];
	p0 =	sne.s32 s2, $0x0  }
0x88: {  	s3 =	rddreg [dreg:$0x2];
	[bflag:$0x3] =	sbarrier.arrive $0xFFFF;
	s2 =	simm.s32 @!p0 $0x1C03  }
0x89: {  	[timem:s3], [sflag:s2] =	dma.local @!p0 [hbm:s0], s1  }
0x8a: {  	s0 =	simm.s32 @!p0 $0x3  }
0x8b: {  	_ =	swait.ge @!p0 [sflag:s0], s1  }
0x8c: {  	s1 =	ssub.s32 @!p0 $0x0, s1;
	[sflag:s0] =	ssyncset.done @!p0 $0x0  }
0x8d: {  	[sflag:s0] =	ssyncadd.s32 @!p0 s1  }
0x8e: {  	[bflag:$0x3] =	sbarrier.arrive $0xFFFF  }
0x8f: {  	_ =	shalt  }

</sc_bundles>
